<compile_context>
chip_gen: v7x
topology: tpu7x:2x2x1
jax: 0.10.2.dev20260603
libtpu: 0.0.44.dev20260713+nightly
codegen_flags: <defaults>
</compile_context>

<pallas_src>
import jax
import jax.numpy as jnp
from jax import lax
from jax.experimental import pallas as pl
from jax.experimental.pallas import tpu as pltpu
from jax.experimental.pallas import tpu_sc as plsc

N = 10000
E = 320000
D = 128

NC = 2
NS = 16
NW = NC * NS

E_PER_TILE = E // NW
CHUNK = 80
N_CHUNKS = E_PER_TILE // CHUNK
NBUF = 3

N_MAIN = ((N_CHUNKS - NBUF) // NBUF) * NBUF

ROWS_MAIN = 624
REM_BASE = NS * ROWS_MAIN
REM_ROWS = N - REM_BASE
ZROWS = 48


def _sc_kernel(x_hbm, src_hbm, dst_hbm, out_hbm,
               idx_src, idx_dst, rows0, rows1, rows2, zbuf, acc,
               bsem, isem0, isem1, isem2, gsem0, gsem1, gsem2,
               ssem0, ssem1, ssem2):
    c = lax.axis_index("c")
    s = lax.axis_index("s")
    wid = c * NS + s

    rows = (rows0, rows1, rows2)
    isem = (isem0, isem1, isem2)
    gsem = (gsem0, gsem1, gsem2)
    ssem = (ssem0, ssem1, ssem2)

    def fire_idx(k, b):
        pltpu.async_copy(dst_hbm.at[wid, pl.ds(k, 1)],
                         idx_dst.at[pl.ds(b, 1)], isem[b])

    def fire_gather(k, b):
        pltpu.async_copy(x_hbm.at[idx_src.at[pl.ds(k * CHUNK, CHUNK)]],
                         rows[b], gsem[b])

    bp = pltpu.async_copy(src_hbm.at[pl.ds(wid * E_PER_TILE, E_PER_TILE)],
                          idx_src, bsem)
    for b in range(NBUF):
        fire_idx(b, b)

    def zero_row(i, _):
        for j in range(D // 16):
            zbuf[i, pl.ds(j * 16, 16)] = jnp.zeros((16,), jnp.float32)
        return 0
    lax.fori_loop(0, ZROWS, zero_row, 0)

    def zero_acc(i, _):
        pltpu.sync_copy(zbuf, acc.at[pl.ds(s * ROWS_MAIN + i * ZROWS, ZROWS)])
        return 0
    lax.fori_loop(0, ROWS_MAIN // ZROWS, zero_acc, 0)

    @pl.when(s == 0)
    def _():
        pltpu.sync_copy(zbuf.at[pl.ds(0, REM_ROWS)],
                        acc.at[pl.ds(REM_BASE, REM_ROWS)])

    bp.wait()
    for b in range(NBUF):
        fire_gather(b, b)

    plsc.subcore_barrier()

    def scatter(k, b):
        pltpu.async_copy(rows[b], acc.at[idx_dst.at[b]], ssem[b], add=True)

    def wait_slot(b):
        pltpu.make_async_copy(x_hbm.at[pl.ds(0, CHUNK)], rows[b],
                              gsem[b]).wait()
        pltpu.make_async_copy(dst_hbm.at[wid, pl.ds(0, 1)],
                              idx_dst.at[pl.ds(b, 1)], isem[b]).wait()

    def wait_scat(b):
        pltpu.make_async_copy(x_hbm.at[pl.ds(0, CHUNK)], rows[b],
                              ssem[b]).wait()

    def body(g, _):
        k0 = g * NBUF
        for b in range(NBUF):
            k = k0 + b
            wait_slot(b)
            scatter(k, b)
            wait_scat(b)
            fire_idx(k + NBUF, b)
            fire_gather(k + NBUF, b)
        return 0
    lax.fori_loop(0, N_MAIN // NBUF, body, 0)

    for k in range(N_MAIN, N_CHUNKS):
        b = k % NBUF
        wait_slot(b)
        scatter(k, b)
        if k + NBUF < N_CHUNKS:
            wait_scat(b)
            fire_idx(k + NBUF, b)
            fire_gather(k + NBUF, b)

    for b in range(NBUF):
        wait_scat(b)

    plsc.subcore_barrier()

    pltpu.sync_copy(acc.at[pl.ds(s * ROWS_MAIN, ROWS_MAIN)],
                    out_hbm.at[c, pl.ds(s * ROWS_MAIN, ROWS_MAIN)])

    @pl.when(s == 0)
    def _():
        pltpu.sync_copy(acc.at[pl.ds(REM_BASE, REM_ROWS)],
                        out_hbm.at[c, pl.ds(REM_BASE, REM_ROWS)])


@jax.jit
def _sc_scatter(x, src, dst):
    mesh = plsc.VectorSubcoreMesh(core_axis_name="c", subcore_axis_name="s")
    return pl.kernel(
        _sc_kernel,
        out_type=jax.ShapeDtypeStruct((NC, N, D), jnp.float32),
        mesh=mesh,
        scratch_types=[
            pltpu.VMEM((E_PER_TILE,), jnp.int32),
            pltpu.VMEM((NBUF, CHUNK), jnp.int32),
            pltpu.VMEM((CHUNK, D), jnp.float32),
            pltpu.VMEM((CHUNK, D), jnp.float32),
            pltpu.VMEM((CHUNK, D), jnp.float32),
            pltpu.VMEM((ZROWS, D), jnp.float32),
            pltpu.VMEM_SHARED((N, D), jnp.float32),
            pltpu.SemaphoreType.DMA,
            pltpu.SemaphoreType.DMA,
            pltpu.SemaphoreType.DMA,
            pltpu.SemaphoreType.DMA,
            pltpu.SemaphoreType.DMA,
            pltpu.SemaphoreType.DMA,
            pltpu.SemaphoreType.DMA,
            pltpu.SemaphoreType.DMA,
            pltpu.SemaphoreType.DMA,
            pltpu.SemaphoreType.DMA,
        ],
    )(x, src, dst)


def _add_body(p_ref, o_ref):
    o_ref[...] = p_ref[0] + p_ref[1]


BLK = 2000


@jax.jit
def _combine(partials):
    return pl.pallas_call(
        _add_body,
        grid=(N // BLK,),
        in_specs=[pl.BlockSpec((NC, BLK, D), lambda i: (0, i, 0))],
        out_specs=pl.BlockSpec((BLK, D), lambda i: (i, 0)),
        out_shape=jax.ShapeDtypeStruct((N, D), jnp.float32),
    )(partials)


def kernel(x, edge_index):
    src = edge_index[0]
    dst = edge_index[1].reshape(NW, N_CHUNKS, CHUNK)
    partials = _sc_scatter(x, src, dst)
    return _combine(partials)

# --- scband reference (transcript-rebuilt; emitter-appended) ---
"""Pipeline reference for scband-message-passing-57251914055819 (READ-ONLY COPY).

The authoritative reference and input builder live on the scoring server;
editing this copy changes nothing except your own understanding.
"""

import jax, jax.numpy as jnp
import numpy as np

N_NODES = 10000
N_EDGES = 320000
D_FEAT = 128


def setup_inputs(seed: int = 0) -> dict:
    key = jax.random.key(seed)
    k1, k2 = jax.random.split(key)
    x = jax.random.normal(k1, (N_NODES, D_FEAT), dtype=jnp.float32)
    edge_index = jax.random.randint(k2, (2, N_EDGES), 0, N_NODES, dtype=jnp.int32)
    return {"x": x, "edge_index": edge_index}


def reference(x, edge_index):
    # MessagePassing with aggr='add':
    #   message(x_j) = x_j  (gather source-node features per edge)
    #   aggregate    = scatter-add messages into destination nodes
    #   update(aggr_out) = aggr_out
    src = edge_index[0]
    dst = edge_index[1]
    messages = jnp.take(x, src, axis=0)              # gather: [E, D]
    aggr_out = jax.ops.segment_sum(messages, dst, num_segments=N_NODES)  # scatter-add: [N, D]
    return aggr_out

if __name__ == "__main__":
    import jax
    _d = setup_inputs()
    print(jax.jit(kernel)(*tuple(_d.values())))

</pallas_src>

<mosaic_0001>
#map = affine_map<(d0, d1) -> (0, 0)>
#map1 = affine_map<(d0, d1) -> (0)>
#map2 = affine_map<(d0, d1) -> (0, 0, 0)>
module attributes {stable_mosaic.version = 14 : i64} {
  func.func @_sc_kernel(%arg0: i32, %arg1: i32, %arg2: memref<10000x128xf32, #tpu.memory_space<hbm>>, %arg3: memref<320000xi32, #tpu.memory_space<hbm>>, %arg4: memref<32x125x80xi32, #tpu.memory_space<hbm>>, %arg5: memref<2x10000x128xf32, #tpu.memory_space<hbm>>, %arg6: memref<10000xi32, #tpu.memory_space<vmem>>, %arg7: memref<3x80xi32, #tpu.memory_space<vmem>>, %arg8: memref<80x128xf32, #tpu.memory_space<vmem>>, %arg9: memref<80x128xf32, #tpu.memory_space<vmem>>, %arg10: memref<80x128xf32, #tpu.memory_space<vmem>>, %arg11: memref<48x128xf32, #tpu.memory_space<vmem>>, %arg12: memref<10000x128xf32, #tpu.memory_space<vmem_shared>>, %arg13: memref<!tpu.dma_semaphore, #tpu.memory_space<semaphore_mem>>, %arg14: memref<!tpu.dma_semaphore, #tpu.memory_space<semaphore_mem>>, %arg15: memref<!tpu.dma_semaphore, #tpu.memory_space<semaphore_mem>>, %arg16: memref<!tpu.dma_semaphore, #tpu.memory_space<semaphore_mem>>, %arg17: memref<!tpu.dma_semaphore, #tpu.memory_space<semaphore_mem>>, %arg18: memref<!tpu.dma_semaphore, #tpu.memory_space<semaphore_mem>>, %arg19: memref<!tpu.dma_semaphore, #tpu.memory_space<semaphore_mem>>, %arg20: memref<!tpu.dma_semaphore, #tpu.memory_space<semaphore_mem>>, %arg21: memref<!tpu.dma_semaphore, #tpu.memory_space<semaphore_mem>>, %arg22: memref<!tpu.dma_semaphore, #tpu.memory_space<semaphore_mem>>) attributes {dimension_semantics = [#tpu.dimension_semantics<core_parallel>, #tpu.dimension_semantics<subcore_parallel>], iteration_bounds = array<i64: 2, 16>, scalar_prefetch = 0 : i64, scratch_operands = 17 : i64, tpu.core_type = #tpu.core_type<sc_vector_subcore>, window_params = [{transform_indices = #map}, {transform_indices = #map1}, {transform_indices = #map2}, {transform_indices = #map2}]} {
    %mul3A = arith.constant 16 : i32
    %mul3A_0 = arith.muli %arg0, %mul3A : i32
    %add3A = arith.addi %mul3A_0, %arg1 : i32
    %mul3A_1 = arith.constant 10000 : i32
    %mul3A_2 = arith.muli %add3A, %mul3A_1 : i32
    %dma_start3A = tpu.memref_slice %arg3[%mul3A_2] : memref<320000xi32, #tpu.memory_space<hbm>> -> memref<10000xi32, #tpu.memory_space<hbm>>
    %dma_start3A_3 = tpu.memref_slice %arg3[%mul3A_2] : memref<320000xi32, #tpu.memory_space<hbm>> -> memref<10000xi32, #tpu.memory_space<hbm>>
    tpu.enqueue_dma source(%dma_start3A_3 : memref<10000xi32, #tpu.memory_space<hbm>>) target(%arg6 : memref<10000xi32, #tpu.memory_space<vmem>>) target_semaphore(%arg13 : memref<!tpu.dma_semaphore, #tpu.memory_space<semaphore_mem>>)
    %dma_start3A_4 = arith.constant 0 : i32
    %dma_start3A_5 = arith.constant 0 : i32
    %dma_start3A_6 = tpu.memref_slice %arg7[%dma_start3A_4, %dma_start3A_5] : memref<3x80xi32, #tpu.memory_space<vmem>> -> memref<1x80xi32, #tpu.memory_space<vmem>>
    %dma_start3A_7 = arith.constant 0 : i32
    %dma_start3A_8 = arith.constant 0 : i32
    %dma_start3A_9 = tpu.memref_slice %arg4[%add3A, %dma_start3A_7, %dma_start3A_8] : memref<32x125x80xi32, #tpu.memory_space<hbm>> -> memref<1x1x80xi32, #tpu.memory_space<hbm>>
    %dma_start3A_10 = tpu.memref_squeeze %dma_start3A_9 : memref<1x1x80xi32, #tpu.memory_space<hbm>> -> memref<1x80xi32, #tpu.memory_space<hbm>>
    %dma_start3A_11 = arith.constant 0 : i32
    %dma_start3A_12 = arith.constant 0 : i32
    %dma_start3A_13 = tpu.memref_slice %arg7[%dma_start3A_11, %dma_start3A_12] : memref<3x80xi32, #tpu.memory_space<vmem>> -> memref<1x80xi32, #tpu.memory_space<vmem>>
    %dma_start3A_14 = arith.constant 0 : i32
    %dma_start3A_15 = arith.constant 0 : i32
    %dma_start3A_16 = tpu.memref_slice %arg4[%add3A, %dma_start3A_14, %dma_start3A_15] : memref<32x125x80xi32, #tpu.memory_space<hbm>> -> memref<1x1x80xi32, #tpu.memory_space<hbm>>
    %dma_start3A_17 = tpu.memref_squeeze %dma_start3A_16 : memref<1x1x80xi32, #tpu.memory_space<hbm>> -> memref<1x80xi32, #tpu.memory_space<hbm>>
    tpu.enqueue_dma source(%dma_start3A_17 : memref<1x80xi32, #tpu.memory_space<hbm>>) target(%dma_start3A_13 : memref<1x80xi32, #tpu.memory_space<vmem>>) target_semaphore(%arg14 : memref<!tpu.dma_semaphore, #tpu.memory_space<semaphore_mem>>)
    %dma_start3A_18 = arith.constant 1 : i32
    %dma_start3A_19 = arith.constant 0 : i32
    %dma_start3A_20 = tpu.memref_slice %arg7[%dma_start3A_18, %dma_start3A_19] : memref<3x80xi32, #tpu.memory_space<vmem>> -> memref<1x80xi32, #tpu.memory_space<vmem>>
    %dma_start3A_21 = arith.constant 1 : i32
    %dma_start3A_22 = arith.constant 0 : i32
    %dma_start3A_23 = tpu.memref_slice %arg4[%add3A, %dma_start3A_21, %dma_start3A_22] : memref<32x125x80xi32, #tpu.memory_space<hbm>> -> memref<1x1x80xi32, #tpu.memory_space<hbm>>
    %dma_start3A_24 = tpu.memref_squeeze %dma_start3A_23 : memref<1x1x80xi32, #tpu.memory_space<hbm>> -> memref<1x80xi32, #tpu.memory_space<hbm>>
    %dma_start3A_25 = arith.constant 1 : i32
    %dma_start3A_26 = arith.constant 0 : i32
    %dma_start3A_27 = tpu.memref_slice %arg7[%dma_start3A_25, %dma_start3A_26] : memref<3x80xi32, #tpu.memory_space<vmem>> -> memref<1x80xi32, #tpu.memory_space<vmem>>
    %dma_start3A_28 = arith.constant 1 : i32
    %dma_start3A_29 = arith.constant 0 : i32
    %dma_start3A_30 = tpu.memref_slice %arg4[%add3A, %dma_start3A_28, %dma_start3A_29] : memref<32x125x80xi32, #tpu.memory_space<hbm>> -> memref<1x1x80xi32, #tpu.memory_space<hbm>>
    %dma_start3A_31 = tpu.memref_squeeze %dma_start3A_30 : memref<1x1x80xi32, #tpu.memory_space<hbm>> -> memref<1x80xi32, #tpu.memory_space<hbm>>
    tpu.enqueue_dma source(%dma_start3A_31 : memref<1x80xi32, #tpu.memory_space<hbm>>) target(%dma_start3A_27 : memref<1x80xi32, #tpu.memory_space<vmem>>) target_semaphore(%arg15 : memref<!tpu.dma_semaphore, #tpu.memory_space<semaphore_mem>>)
    %dma_start3A_32 = arith.constant 2 : i32
    %dma_start3A_33 = arith.constant 0 : i32
    %dma_start3A_34 = tpu.memref_slice %arg7[%dma_start3A_32, %dma_start3A_33] : memref<3x80xi32, #tpu.memory_space<vmem>> -> memref<1x80xi32, #tpu.memory_space<vmem>>
    %dma_start3A_35 = arith.constant 2 : i32
    %dma_start3A_36 = arith.constant 0 : i32
    %dma_start3A_37 = tpu.memref_slice %arg4[%add3A, %dma_start3A_35, %dma_start3A_36] : memref<32x125x80xi32, #tpu.memory_space<hbm>> -> memref<1x1x80xi32, #tpu.memory_space<hbm>>
    %dma_start3A_38 = tpu.memref_squeeze %dma_start3A_37 : memref<1x1x80xi32, #tpu.memory_space<hbm>> -> memref<1x80xi32, #tpu.memory_space<hbm>>
    %dma_start3A_39 = arith.constant 2 : i32
    %dma_start3A_40 = arith.constant 0 : i32
    %dma_start3A_41 = tpu.memref_slice %arg7[%dma_start3A_39, %dma_start3A_40] : memref<3x80xi32, #tpu.memory_space<vmem>> -> memref<1x80xi32, #tpu.memory_space<vmem>>
    %dma_start3A_42 = arith.constant 2 : i32
    %dma_start3A_43 = arith.constant 0 : i32
    %dma_start3A_44 = tpu.memref_slice %arg4[%add3A, %dma_start3A_42, %dma_start3A_43] : memref<32x125x80xi32, #tpu.memory_space<hbm>> -> memref<1x1x80xi32, #tpu.memory_space<hbm>>
    %dma_start3A_45 = tpu.memref_squeeze %dma_start3A_44 : memref<1x1x80xi32, #tpu.memory_space<hbm>> -> memref<1x80xi32, #tpu.memory_space<hbm>>
    tpu.enqueue_dma source(%dma_start3A_45 : memref<1x80xi32, #tpu.memory_space<hbm>>) target(%dma_start3A_41 : memref<1x80xi32, #tpu.memory_space<vmem>>) target_semaphore(%arg16 : memref<!tpu.dma_semaphore, #tpu.memory_space<semaphore_mem>>)
    %scan3A = arith.constant 0 : i32
    %scan3A_46 = arith.constant 0 : i32
    %scan3A_47 = arith.constant 48 : i32
    %scan3A_48 = arith.addi %scan3A_46, %scan3A_47 : i32
    %scan3A_49 = arith.constant 1 : i32
    %scan3A_50 = scf.for %scan3A_297 = %scan3A_46 to %scan3A_48 step %scan3A_49 iter_args(%scan3A_298 = %scan3A) -> (i32)  : i32 {
      %broadcast_in_dim3A = arith.constant 0.000000e+00 : f32
      %broadcast_in_dim3A_299 = vector.broadcast %broadcast_in_dim3A : f32 to vector<16xf32>
      %swap3A = arith.index_cast %scan3A_297 : i32 to index
      %swap3A_300 = arith.constant 0 : index
      %swap3A_301 = tpu.vector_load %arg11[%swap3A, %swap3A_300] {strides = array<i32>} : memref<48x128xf32, #tpu.memory_space<vmem>>, vector<1x16xf32>,
      %swap3A_302 = vector.shape_cast %swap3A_301 : vector<1x16xf32> to vector<16xf32>
      %swap3A_303 = vector.shape_cast %broadcast_in_dim3A_299 : vector<16xf32> to vector<1x16xf32>
      tpu.vector_store %arg11[%swap3A, %swap3A_300], %swap3A_303 {strides = array<i32>} : memref<48x128xf32, #tpu.memory_space<vmem>>, vector<1x16xf32>,
      %broadcast_in_dim3A_304 = arith.constant 0.000000e+00 : f32
      %broadcast_in_dim3A_305 = vector.broadcast %broadcast_in_dim3A_304 : f32 to vector<16xf32>
      %swap3A_306 = arith.index_cast %scan3A_297 : i32 to index
      %swap3A_307 = arith.constant 16 : index
      %swap3A_308 = tpu.vector_load %arg11[%swap3A_306, %swap3A_307] {strides = array<i32>} : memref<48x128xf32, #tpu.memory_space<vmem>>, vector<1x16xf32>,
      %swap3A_309 = vector.shape_cast %swap3A_308 : vector<1x16xf32> to vector<16xf32>
      %swap3A_310 = vector.shape_cast %broadcast_in_dim3A_305 : vector<16xf32> to vector<1x16xf32>
      tpu.vector_store %arg11[%swap3A_306, %swap3A_307], %swap3A_310 {strides = array<i32>} : memref<48x128xf32, #tpu.memory_space<vmem>>, vector<1x16xf32>,
      %broadcast_in_dim3A_311 = arith.constant 0.000000e+00 : f32
      %broadcast_in_dim3A_312 = vector.broadcast %broadcast_in_dim3A_311 : f32 to vector<16xf32>
      %swap3A_313 = arith.index_cast %scan3A_297 : i32 to index
      %swap3A_314 = arith.constant 32 : index
      %swap3A_315 = tpu.vector_load %arg11[%swap3A_313, %swap3A_314] {strides = array<i32>} : memref<48x128xf32, #tpu.memory_space<vmem>>, vector<1x16xf32>,
      %swap3A_316 = vector.shape_cast %swap3A_315 : vector<1x16xf32> to vector<16xf32>
      %swap3A_317 = vector.shape_cast %broadcast_in_dim3A_312 : vector<16xf32> to vector<1x16xf32>
      tpu.vector_store %arg11[%swap3A_313, %swap3A_314], %swap3A_317 {strides = array<i32>} : memref<48x128xf32, #tpu.memory_space<vmem>>, vector<1x16xf32>,
      %broadcast_in_dim3A_318 = arith.constant 0.000000e+00 : f32
      %broadcast_in_dim3A_319 = vector.broadcast %broadcast_in_dim3A_318 : f32 to vector<16xf32>
      %swap3A_320 = arith.index_cast %scan3A_297 : i32 to index
      %swap3A_321 = arith.constant 48 : index
      %swap3A_322 = tpu.vector_load %arg11[%swap3A_320, %swap3A_321] {strides = array<i32>} : memref<48x128xf32, #tpu.memory_space<vmem>>, vector<1x16xf32>,
      %swap3A_323 = vector.shape_cast %swap3A_322 : vector<1x16xf32> to vector<16xf32>
      %swap3A_324 = vector.shape_cast %broadcast_in_dim3A_319 : vector<16xf32> to vector<1x16xf32>
      tpu.vector_store %arg11[%swap3A_320, %swap3A_321], %swap3A_324 {strides = array<i32>} : memref<48x128xf32, #tpu.memory_space<vmem>>, vector<1x16xf32>,
      %broadcast_in_dim3A_325 = arith.constant 0.000000e+00 : f32
      %broadcast_in_dim3A_326 = vector.broadcast %broadcast_in_dim3A_325 : f32 to vector<16xf32>
      %swap3A_327 = arith.index_cast %scan3A_297 : i32 to index
      %swap3A_328 = arith.constant 64 : index
      %swap3A_329 = tpu.vector_load %arg11[%swap3A_327, %swap3A_328] {strides = array<i32>} : memref<48x128xf32, #tpu.memory_space<vmem>>, vector<1x16xf32>,
      %swap3A_330 = vector.shape_cast %swap3A_329 : vector<1x16xf32> to vector<16xf32>
      %swap3A_331 = vector.shape_cast %broadcast_in_dim3A_326 : vector<16xf32> to vector<1x16xf32>
      tpu.vector_store %arg11[%swap3A_327, %swap3A_328], %swap3A_331 {strides = array<i32>} : memref<48x128xf32, #tpu.memory_space<vmem>>, vector<1x16xf32>,
      %broadcast_in_dim3A_332 = arith.constant 0.000000e+00 : f32
      %broadcast_in_dim3A_333 = vector.broadcast %broadcast_in_dim3A_332 : f32 to vector<16xf32>
      %swap3A_334 = arith.index_cast %scan3A_297 : i32 to index
      %swap3A_335 = arith.constant 80 : index
      %swap3A_336 = tpu.vector_load %arg11[%swap3A_334, %swap3A_335] {strides = array<i32>} : memref<48x128xf32, #tpu.memory_space<vmem>>, vector<1x16xf32>,
      %swap3A_337 = vector.shape_cast %swap3A_336 : vector<1x16xf32> to vector<16xf32>
      %swap3A_338 = vector.shape_cast %broadcast_in_dim3A_333 : vector<16xf32> to vector<1x16xf32>
      tpu.vector_store %arg11[%swap3A_334, %swap3A_335], %swap3A_338 {strides = array<i32>} : memref<48x128xf32, #tpu.memory_space<vmem>>, vector<1x16xf32>,
      %broadcast_in_dim3A_339 = arith.constant 0.000000e+00 : f32
      %broadcast_in_dim3A_340 = vector.broadcast %broadcast_in_dim3A_339 : f32 to vector<16xf32>
      %swap3A_341 = arith.index_cast %scan3A_297 : i32 to index
      %swap3A_342 = arith.constant 96 : index
      %swap3A_343 = tpu.vector_load %arg11[%swap3A_341, %swap3A_342] {strides = array<i32>} : memref<48x128xf32, #tpu.memory_space<vmem>>, vector<1x16xf32>,
      %swap3A_344 = vector.shape_cast %swap3A_343 : vector<1x16xf32> to vector<16xf32>
      %swap3A_345 = vector.shape_cast %broadcast_in_dim3A_340 : vector<16xf32> to vector<1x16xf32>
      tpu.vector_store %arg11[%swap3A_341, %swap3A_342], %swap3A_345 {strides = array<i32>} : memref<48x128xf32, #tpu.memory_space<vmem>>, vector<1x16xf32>,
      %broadcast_in_dim3A_346 = arith.constant 0.000000e+00 : f32
      %broadcast_in_dim3A_347 = vector.broadcast %broadcast_in_dim3A_346 : f32 to vector<16xf32>
      %swap3A_348 = arith.index_cast %scan3A_297 : i32 to index
      %swap3A_349 = arith.constant 112 : index
      %swap3A_350 = tpu.vector_load %arg11[%swap3A_348, %swap3A_349] {strides = array<i32>} : memref<48x128xf32, #tpu.memory_space<vmem>>, vector<1x16xf32>,
      %swap3A_351 = vector.shape_cast %swap3A_350 : vector<1x16xf32> to vector<16xf32>
      %swap3A_352 = vector.shape_cast %broadcast_in_dim3A_347 : vector<16xf32> to vector<1x16xf32>
      tpu.vector_store %arg11[%swap3A_348, %swap3A_349], %swap3A_352 {strides = array<i32>} : memref<48x128xf32, #tpu.memory_space<vmem>>, vector<1x16xf32>,
      %scan3A_353 = arith.constant 0 : i32
      scf.yield %scan3A_353 : i32
    }
    %scan3A_51 = arith.constant 48 : i32
    %scan3A_52 = arith.constant 0 : i32
    %scan3A_53 = arith.constant 0 : i32
    %scan3A_54 = arith.constant 13 : i32
    %scan3A_55 = arith.addi %scan3A_53, %scan3A_54 : i32
    %scan3A_56 = arith.constant 1 : i32
    %scan3A_57 = scf.for %scan3A_297 = %scan3A_53 to %scan3A_55 step %scan3A_56 iter_args(%scan3A_298 = %scan3A_52) -> (i32)  : i32 {
      %mul3A_299 = arith.constant 624 : i32
      %mul3A_300 = arith.muli %arg1, %mul3A_299 : i32
      %mul3A_301 = arith.constant 48 : i32
      %mul3A_302 = arith.muli %scan3A_297, %mul3A_301 : i32
      %add3A_303 = arith.addi %mul3A_300, %mul3A_302 : i32
      "tpu.region"() ({
        %run_scoped3A = tpu.sem_alloc : memref<!tpu.dma_semaphore, #tpu.memory_space<semaphore_mem>>
        %dma_start3A_305 = arith.constant 0 : i32
        %dma_start3A_306 = tpu.memref_slice %arg12[%add3A_303, %dma_start3A_305] : memref<10000x128xf32, #tpu.memory_space<vmem_shared>> -> memref<48x128xf32, #tpu.memory_space<vmem_shared>>
        %dma_start3A_307 = arith.constant 0 : i32
        %dma_start3A_308 = tpu.memref_slice %arg12[%add3A_303, %dma_start3A_307] : memref<10000x128xf32, #tpu.memory_space<vmem_shared>> -> memref<48x128xf32, #tpu.memory_space<vmem_shared>>
        tpu.enqueue_dma source(%arg11 : memref<48x128xf32, #tpu.memory_space<vmem>>) target(%dma_start3A_308 : memref<48x128xf32, #tpu.memory_space<vmem_shared>>) target_semaphore(%run_scoped3A : memref<!tpu.dma_semaphore, #tpu.memory_space<semaphore_mem>>)
        %dma_wait3A_309 = arith.constant 0 : i32
        %dma_wait3A_310 = tpu.memref_slice %arg12[%add3A_303, %dma_wait3A_309] : memref<10000x128xf32, #tpu.memory_space<vmem_shared>> -> memref<48x128xf32, #tpu.memory_space<vmem_shared>>
        %dma_wait3A_311 = arith.constant 0 : i32
        %dma_wait3A_312 = tpu.memref_slice %arg12[%add3A_303, %dma_wait3A_311] : memref<10000x128xf32, #tpu.memory_space<vmem_shared>> -> memref<48x128xf32, #tpu.memory_space<vmem_shared>>
        tpu.wait_dma2 semaphore(%run_scoped3A : memref<!tpu.dma_semaphore, #tpu.memory_space<semaphore_mem>>) src(%arg11 : memref<48x128xf32, #tpu.memory_space<vmem>>) dst(%dma_wait3A_312 : memref<48x128xf32, #tpu.memory_space<vmem_shared>>)
        tpu.yield
      }) : () -> ()
      %scan3A_304 = arith.constant 0 : i32
      scf.yield %scan3A_304 : i32
    }
    %scan3A_58 = arith.constant 13 : i32
    %eq3A = arith.constant 0 : i32
    %eq3A_59 = arith.cmpi eq, %arg1, %eq3A : i32
    %convert_element_type3A = arith.extui %eq3A_59 : i1 to i32
    %cond3A = arith.constant 0 : i32
    %cond3A_60 = arith.cmpi ne, %convert_element_type3A, %cond3A : i32
    scf.if %cond3A_60 {
      "tpu.region"() ({
        %run_scoped3A = tpu.sem_alloc : memref<!tpu.dma_semaphore, #tpu.memory_space<semaphore_mem>>
        %dma_start3A_297 = arith.constant 0 : i32
        %dma_start3A_298 = arith.constant 0 : i32
        %dma_start3A_299 = tpu.memref_slice %arg11[%dma_start3A_297, %dma_start3A_298] : memref<48x128xf32, #tpu.memory_space<vmem>> -> memref<16x128xf32, #tpu.memory_space<vmem>>
        %dma_start3A_300 = arith.constant 9984 : i32
        %dma_start3A_301 = arith.constant 0 : i32
        %dma_start3A_302 = tpu.memref_slice %arg12[%dma_start3A_300, %dma_start3A_301] : memref<10000x128xf32, #tpu.memory_space<vmem_shared>> -> memref<16x128xf32, #tpu.memory_space<vmem_shared>>
        %dma_start3A_303 = arith.constant 9984 : i32
        %dma_start3A_304 = arith.constant 0 : i32
        %dma_start3A_305 = tpu.memref_slice %arg12[%dma_start3A_303, %dma_start3A_304] : memref<10000x128xf32, #tpu.memory_space<vmem_shared>> -> memref<16x128xf32, #tpu.memory_space<vmem_shared>>
        %dma_start3A_306 = arith.constant 0 : i32
        %dma_start3A_307 = arith.constant 0 : i32
        %dma_start3A_308 = tpu.memref_slice %arg11[%dma_start3A_306, %dma_start3A_307] : memref<48x128xf32, #tpu.memory_space<vmem>> -> memref<16x128xf32, #tpu.memory_space<vmem>>
        tpu.enqueue_dma source(%dma_start3A_308 : memref<16x128xf32, #tpu.memory_space<vmem>>) target(%dma_start3A_305 : memref<16x128xf32, #tpu.memory_space<vmem_shared>>) target_semaphore(%run_scoped3A : memref<!tpu.dma_semaphore, #tpu.memory_space<semaphore_mem>>)
        %dma_wait3A_309 = arith.constant 0 : i32
        %dma_wait3A_310 = arith.constant 0 : i32
        %dma_wait3A_311 = tpu.memref_slice %arg11[%dma_wait3A_309, %dma_wait3A_310] : memref<48x128xf32, #tpu.memory_space<vmem>> -> memref<16x128xf32, #tpu.memory_space<vmem>>
        %dma_wait3A_312 = arith.constant 9984 : i32
        %dma_wait3A_313 = arith.constant 0 : i32
        %dma_wait3A_314 = tpu.memref_slice %arg12[%dma_wait3A_312, %dma_wait3A_313] : memref<10000x128xf32, #tpu.memory_space<vmem_shared>> -> memref<16x128xf32, #tpu.memory_space<vmem_shared>>
        %dma_wait3A_315 = arith.constant 9984 : i32
        %dma_wait3A_316 = arith.constant 0 : i32
        %dma_wait3A_317 = tpu.memref_slice %arg12[%dma_wait3A_315, %dma_wait3A_316] : memref<10000x128xf32, #tpu.memory_space<vmem_shared>> -> memref<16x128xf32, #tpu.memory_space<vmem_shared>>
        %dma_wait3A_318 = arith.constant 0 : i32
        %dma_wait3A_319 = arith.constant 0 : i32
        %dma_wait3A_320 = tpu.memref_slice %arg11[%dma_wait3A_318, %dma_wait3A_319] : memref<48x128xf32, #tpu.memory_space<vmem>> -> memref<16x128xf32, #tpu.memory_space<vmem>>
        tpu.wait_dma2 semaphore(%run_scoped3A : memref<!tpu.dma_semaphore, #tpu.memory_space<semaphore_mem>>) src(%dma_wait3A_320 : memref<16x128xf32, #tpu.memory_space<vmem>>) dst(%dma_wait3A_317 : memref<16x128xf32, #tpu.memory_space<vmem_shared>>)
        tpu.yield
      }) : () -> ()
    } else {
    }
    %dma_wait3A = tpu.memref_slice %arg3[%mul3A_2] : memref<320000xi32, #tpu.memory_space<hbm>> -> memref<10000xi32, #tpu.memory_space<hbm>>
    %dma_wait3A_61 = tpu.memref_slice %arg3[%mul3A_2] : memref<320000xi32, #tpu.memory_space<hbm>> -> memref<10000xi32, #tpu.memory_space<hbm>>
    tpu.wait_dma2 semaphore(%arg13 : memref<!tpu.dma_semaphore, #tpu.memory_space<semaphore_mem>>) src(%dma_wait3A_61 : memref<10000xi32, #tpu.memory_space<hbm>>) dst(%arg6 : memref<10000xi32, #tpu.memory_space<vmem>>)
    %dma_start3A_62 = arith.constant 0 : i32
    %dma_start3A_63 = tpu.memref_slice %arg6[%dma_start3A_62] : memref<10000xi32, #tpu.memory_space<vmem>> -> memref<80xi32, #tpu.memory_space<vmem>>
    %dma_start3A_64 = arith.constant 0 : i32
    %dma_start3A_65 = arith.constant 0 : i32
    %dma_start3A_66 = tpu.memref_slice %arg2[%dma_start3A_64, %dma_start3A_65] : memref<10000x128xf32, #tpu.memory_space<hbm>> -> memref<10000x128xf32, #tpu.memory_space<hbm>>
    tpu.enqueue_indirect_dma source(%dma_start3A_66 : memref<10000x128xf32, #tpu.memory_space<hbm>>) target(%arg8 : memref<80x128xf32, #tpu.memory_space<vmem>>) offsets(%dma_start3A_63 : memref<80xi32, #tpu.memory_space<vmem>>) semaphore(%arg17 : memref<!tpu.dma_semaphore, #tpu.memory_space<semaphore_mem>>)
    %dma_start3A_67 = arith.constant 80 : i32
    %dma_start3A_68 = tpu.memref_slice %arg6[%dma_start3A_67] : memref<10000xi32, #tpu.memory_space<vmem>> -> memref<80xi32, #tpu.memory_space<vmem>>
    %dma_start3A_69 = arith.constant 0 : i32
    %dma_start3A_70 = arith.constant 0 : i32
    %dma_start3A_71 = tpu.memref_slice %arg2[%dma_start3A_69, %dma_start3A_70] : memref<10000x128xf32, #tpu.memory_space<hbm>> -> memref<10000x128xf32, #tpu.memory_space<hbm>>
    tpu.enqueue_indirect_dma source(%dma_start3A_71 : memref<10000x128xf32, #tpu.memory_space<hbm>>) target(%arg9 : memref<80x128xf32, #tpu.memory_space<vmem>>) offsets(%dma_start3A_68 : memref<80xi32, #tpu.memory_space<vmem>>) semaphore(%arg18 : memref<!tpu.dma_semaphore, #tpu.memory_space<semaphore_mem>>)
    %dma_start3A_72 = arith.constant 160 : i32
    %dma_start3A_73 = tpu.memref_slice %arg6[%dma_start3A_72] : memref<10000xi32, #tpu.memory_space<vmem>> -> memref<80xi32, #tpu.memory_space<vmem>>
    %dma_start3A_74 = arith.constant 0 : i32
    %dma_start3A_75 = arith.constant 0 : i32
    %dma_start3A_76 = tpu.memref_slice %arg2[%dma_start3A_74, %dma_start3A_75] : memref<10000x128xf32, #tpu.memory_space<hbm>> -> memref<10000x128xf32, #tpu.memory_space<hbm>>
    tpu.enqueue_indirect_dma source(%dma_start3A_76 : memref<10000x128xf32, #tpu.memory_space<hbm>>) target(%arg10 : memref<80x128xf32, #tpu.memory_space<vmem>>) offsets(%dma_start3A_73 : memref<80xi32, #tpu.memory_space<vmem>>) semaphore(%arg19 : memref<!tpu.dma_semaphore, #tpu.memory_space<semaphore_mem>>)
    %barrier3A = arith.constant 0 : index
    tpu.barrier barrier_id(%barrier3A)
    %scan3A_77 = arith.constant 0 : i32
    %scan3A_78 = arith.constant 0 : i32
    %scan3A_79 = arith.constant 40 : i32
    %scan3A_80 = arith.addi %scan3A_78, %scan3A_79 : i32
    %scan3A_81 = arith.constant 1 : i32
    %scan3A_82 = scf.for %scan3A_297 = %scan3A_78 to %scan3A_80 step %scan3A_81 iter_args(%scan3A_298 = %scan3A_77) -> (i32)  : i32 {
      %mul3A_299 = arith.constant 3 : i32
      %mul3A_300 = arith.muli %scan3A_297, %mul3A_299 : i32
      %add3A_301 = arith.constant 0 : i32
      %add3A_302 = arith.addi %mul3A_300, %add3A_301 : i32
      %dma_wait3A_303 = arith.constant 0 : i32
      %dma_wait3A_304 = arith.constant 0 : i32
      %dma_wait3A_305 = tpu.memref_slice %arg2[%dma_wait3A_303, %dma_wait3A_304] : memref<10000x128xf32, #tpu.memory_space<hbm>> -> memref<80x128xf32, #tpu.memory_space<hbm>>
      %dma_wait3A_306 = arith.constant 0 : i32
      %dma_wait3A_307 = arith.constant 0 : i32
      %dma_wait3A_308 = tpu.memref_slice %arg2[%dma_wait3A_306, %dma_wait3A_307] : memref<10000x128xf32, #tpu.memory_space<hbm>> -> memref<80x128xf32, #tpu.memory_space<hbm>>
      tpu.wait_dma2 semaphore(%arg17 : memref<!tpu.dma_semaphore, #tpu.memory_space<semaphore_mem>>) src(%dma_wait3A_308 : memref<80x128xf32, #tpu.memory_space<hbm>>) dst(%arg8 : memref<80x128xf32, #tpu.memory_space<vmem>>)
      %dma_wait3A_309 = arith.constant 0 : i32
      %dma_wait3A_310 = arith.constant 0 : i32
      %dma_wait3A_311 = tpu.memref_slice %arg7[%dma_wait3A_309, %dma_wait3A_310] : memref<3x80xi32, #tpu.memory_space<vmem>> -> memref<1x80xi32, #tpu.memory_space<vmem>>
      %dma_wait3A_312 = arith.constant 0 : i32
      %dma_wait3A_313 = arith.constant 0 : i32
      %dma_wait3A_314 = tpu.memref_slice %arg4[%add3A, %dma_wait3A_312, %dma_wait3A_313] : memref<32x125x80xi32, #tpu.memory_space<hbm>> -> memref<1x1x80xi32, #tpu.memory_space<hbm>>
      %dma_wait3A_315 = tpu.memref_squeeze %dma_wait3A_314 : memref<1x1x80xi32, #tpu.memory_space<hbm>> -> memref<1x80xi32, #tpu.memory_space<hbm>>
      %dma_wait3A_316 = arith.constant 0 : i32
      %dma_wait3A_317 = arith.constant 0 : i32
      %dma_wait3A_318 = tpu.memref_slice %arg7[%dma_wait3A_316, %dma_wait3A_317] : memref<3x80xi32, #tpu.memory_space<vmem>> -> memref<1x80xi32, #tpu.memory_space<vmem>>
      %dma_wait3A_319 = arith.constant 0 : i32
      %dma_wait3A_320 = arith.constant 0 : i32
      %dma_wait3A_321 = tpu.memref_slice %arg4[%add3A, %dma_wait3A_319, %dma_wait3A_320] : memref<32x125x80xi32, #tpu.memory_space<hbm>> -> memref<1x1x80xi32, #tpu.memory_space<hbm>>
      %dma_wait3A_322 = tpu.memref_squeeze %dma_wait3A_321 : memref<1x1x80xi32, #tpu.memory_space<hbm>> -> memref<1x80xi32, #tpu.memory_space<hbm>>
      tpu.wait_dma2 semaphore(%arg14 : memref<!tpu.dma_semaphore, #tpu.memory_space<semaphore_mem>>) src(%dma_wait3A_322 : memref<1x80xi32, #tpu.memory_space<hbm>>) dst(%dma_wait3A_318 : memref<1x80xi32, #tpu.memory_space<vmem>>)
      %dma_start3A_323 = arith.constant 0 : i32
      %dma_start3A_324 = arith.constant 0 : i32
      %dma_start3A_325 = tpu.memref_slice %arg7[%dma_start3A_323, %dma_start3A_324] : memref<3x80xi32, #tpu.memory_space<vmem>> -> memref<1x80xi32, #tpu.memory_space<vmem>>
      %dma_start3A_326 = tpu.memref_squeeze %dma_start3A_325 : memref<1x80xi32, #tpu.memory_space<vmem>> -> memref<80xi32, #tpu.memory_space<vmem>>
      %dma_start3A_327 = arith.constant 0 : i32
      %dma_start3A_328 = arith.constant 0 : i32
      %dma_start3A_329 = tpu.memref_slice %arg12[%dma_start3A_327, %dma_start3A_328] : memref<10000x128xf32, #tpu.memory_space<vmem_shared>> -> memref<10000x128xf32, #tpu.memory_space<vmem_shared>>
      tpu.enqueue_indirect_dma source(%arg8 : memref<80x128xf32, #tpu.memory_space<vmem>>) target(%dma_start3A_329 : memref<10000x128xf32, #tpu.memory_space<vmem_shared>>) offsets(%dma_start3A_326 : memref<80xi32, #tpu.memory_space<vmem>>) semaphore(%arg20 : memref<!tpu.dma_semaphore, #tpu.memory_space<semaphore_mem>>) {add = true}
      %dma_wait3A_330 = arith.constant 0 : i32
      %dma_wait3A_331 = arith.constant 0 : i32
      %dma_wait3A_332 = tpu.memref_slice %arg2[%dma_wait3A_330, %dma_wait3A_331] : memref<10000x128xf32, #tpu.memory_space<hbm>> -> memref<80x128xf32, #tpu.memory_space<hbm>>
      %dma_wait3A_333 = arith.constant 0 : i32
      %dma_wait3A_334 = arith.constant 0 : i32
      %dma_wait3A_335 = tpu.memref_slice %arg2[%dma_wait3A_333, %dma_wait3A_334] : memref<10000x128xf32, #tpu.memory_space<hbm>> -> memref<80x128xf32, #tpu.memory_space<hbm>>
      tpu.wait_dma2 semaphore(%arg20 : memref<!tpu.dma_semaphore, #tpu.memory_space<semaphore_mem>>) src(%dma_wait3A_335 : memref<80x128xf32, #tpu.memory_space<hbm>>) dst(%arg8 : memref<80x128xf32, #tpu.memory_space<vmem>>)
      %add3A_336 = arith.constant 3 : i32
      %add3A_337 = arith.addi %add3A_302, %add3A_336 : i32
      %dma_start3A_338 = arith.constant 0 : i32
      %dma_start3A_339 = arith.constant 0 : i32
      %dma_start3A_340 = tpu.memref_slice %arg7[%dma_start3A_338, %dma_start3A_339] : memref<3x80xi32, #tpu.memory_space<vmem>> -> memref<1x80xi32, #tpu.memory_space<vmem>>
      %dma_start3A_341 = arith.constant 0 : i32
      %dma_start3A_342 = tpu.memref_slice %arg4[%add3A, %add3A_337, %dma_start3A_341] : memref<32x125x80xi32, #tpu.memory_space<hbm>> -> memref<1x1x80xi32, #tpu.memory_space<hbm>>
      %dma_start3A_343 = tpu.memref_squeeze %dma_start3A_342 : memref<1x1x80xi32, #tpu.memory_space<hbm>> -> memref<1x80xi32, #tpu.memory_space<hbm>>
      %dma_start3A_344 = arith.constant 0 : i32
      %dma_start3A_345 = arith.constant 0 : i32
      %dma_start3A_346 = tpu.memref_slice %arg7[%dma_start3A_344, %dma_start3A_345] : memref<3x80xi32, #tpu.memory_space<vmem>> -> memref<1x80xi32, #tpu.memory_space<vmem>>
      %dma_start3A_347 = arith.constant 0 : i32
      %dma_start3A_348 = tpu.memref_slice %arg4[%add3A, %add3A_337, %dma_start3A_347] : memref<32x125x80xi32, #tpu.memory_space<hbm>> -> memref<1x1x80xi32, #tpu.memory_space<hbm>>
      %dma_start3A_349 = tpu.memref_squeeze %dma_start3A_348 : memref<1x1x80xi32, #tpu.memory_space<hbm>> -> memref<1x80xi32, #tpu.memory_space<hbm>>
      tpu.enqueue_dma source(%dma_start3A_349 : memref<1x80xi32, #tpu.memory_space<hbm>>) target(%dma_start3A_346 : memref<1x80xi32, #tpu.memory_space<vmem>>) target_semaphore(%arg14 : memref<!tpu.dma_semaphore, #tpu.memory_space<semaphore_mem>>)
      %add3A_350 = arith.constant 3 : i32
      %add3A_351 = arith.addi %add3A_302, %add3A_350 : i32
      %mul3A_352 = arith.constant 80 : i32
      %mul3A_353 = arith.muli %add3A_351, %mul3A_352 : i32
      %dma_start3A_354 = tpu.memref_slice %arg6[%mul3A_353] : memref<10000xi32, #tpu.memory_space<vmem>> -> memref<80xi32, #tpu.memory_space<vmem>>
      %dma_start3A_355 = arith.constant 0 : i32
      %dma_start3A_356 = arith.constant 0 : i32
      %dma_start3A_357 = tpu.memref_slice %arg2[%dma_start3A_355, %dma_start3A_356] : memref<10000x128xf32, #tpu.memory_space<hbm>> -> memref<10000x128xf32, #tpu.memory_space<hbm>>
      tpu.enqueue_indirect_dma source(%dma_start3A_357 : memref<10000x128xf32, #tpu.memory_space<hbm>>) target(%arg8 : memref<80x128xf32, #tpu.memory_space<vmem>>) offsets(%dma_start3A_354 : memref<80xi32, #tpu.memory_space<vmem>>) semaphore(%arg17 : memref<!tpu.dma_semaphore, #tpu.memory_space<semaphore_mem>>)
      %add3A_358 = arith.constant 1 : i32
      %add3A_359 = arith.addi %mul3A_300, %add3A_358 : i32
      %dma_wait3A_360 = arith.constant 0 : i32
      %dma_wait3A_361 = arith.constant 0 : i32
      %dma_wait3A_362 = tpu.memref_slice %arg2[%dma_wait3A_360, %dma_wait3A_361] : memref<10000x128xf32, #tpu.memory_space<hbm>> -> memref<80x128xf32, #tpu.memory_space<hbm>>
      %dma_wait3A_363 = arith.constant 0 : i32
      %dma_wait3A_364 = arith.constant 0 : i32
      %dma_wait3A_365 = tpu.memref_slice %arg2[%dma_wait3A_363, %dma_wait3A_364] : memref<10000x128xf32, #tpu.memory_space<hbm>> -> memref<80x128xf32, #tpu.memory_space<hbm>>
      tpu.wait_dma2 semaphore(%arg18 : memref<!tpu.dma_semaphore, #tpu.memory_space<semaphore_mem>>) src(%dma_wait3A_365 : memref<80x128xf32, #tpu.memory_space<hbm>>) dst(%arg9 : memref<80x128xf32, #tpu.memory_space<vmem>>)
      %dma_wait3A_366 = arith.constant 1 : i32
      %dma_wait3A_367 = arith.constant 0 : i32
      %dma_wait3A_368 = tpu.memref_slice %arg7[%dma_wait3A_366, %dma_wait3A_367] : memref<3x80xi32, #tpu.memory_space<vmem>> -> memref<1x80xi32, #tpu.memory_space<vmem>>
      %dma_wait3A_369 = arith.constant 0 : i32
      %dma_wait3A_370 = arith.constant 0 : i32
      %dma_wait3A_371 = tpu.memref_slice %arg4[%add3A, %dma_wait3A_369, %dma_wait3A_370] : memref<32x125x80xi32, #tpu.memory_space<hbm>> -> memref<1x1x80xi32, #tpu.memory_space<hbm>>
      %dma_wait3A_372 = tpu.memref_squeeze %dma_wait3A_371 : memref<1x1x80xi32, #tpu.memory_space<hbm>> -> memref<1x80xi32, #tpu.memory_space<hbm>>
      %dma_wait3A_373 = arith.constant 1 : i32
      %dma_wait3A_374 = arith.constant 0 : i32
      %dma_wait3A_375 = tpu.memref_slice %arg7[%dma_wait3A_373, %dma_wait3A_374] : memref<3x80xi32, #tpu.memory_space<vmem>> -> memref<1x80xi32, #tpu.memory_space<vmem>>
      %dma_wait3A_376 = arith.constant 0 : i32
      %dma_wait3A_377 = arith.constant 0 : i32
      %dma_wait3A_378 = tpu.memref_slice %arg4[%add3A, %dma_wait3A_376, %dma_wait3A_377] : memref<32x125x80xi32, #tpu.memory_space<hbm>> -> memref<1x1x80xi32, #tpu.memory_space<hbm>>
      %dma_wait3A_379 = tpu.memref_squeeze %dma_wait3A_378 : memref<1x1x80xi32, #tpu.memory_space<hbm>> -> memref<1x80xi32, #tpu.memory_space<hbm>>
      tpu.wait_dma2 semaphore(%arg15 : memref<!tpu.dma_semaphore, #tpu.memory_space<semaphore_mem>>) src(%dma_wait3A_379 : memref<1x80xi32, #tpu.memory_space<hbm>>) dst(%dma_wait3A_375 : memref<1x80xi32, #tpu.memory_space<vmem>>)
      %dma_start3A_380 = arith.constant 1 : i32
      %dma_start3A_381 = arith.constant 0 : i32
      %dma_start3A_382 = tpu.memref_slice %arg7[%dma_start3A_380, %dma_start3A_381] : memref<3x80xi32, #tpu.memory_space<vmem>> -> memref<1x80xi32, #tpu.memory_space<vmem>>
      %dma_start3A_383 = tpu.memref_squeeze %dma_start3A_382 : memref<1x80xi32, #tpu.memory_space<vmem>> -> memref<80xi32, #tpu.memory_space<vmem>>
      %dma_start3A_384 = arith.constant 0 : i32
      %dma_start3A_385 = arith.constant 0 : i32
      %dma_start3A_386 = tpu.memref_slice %arg12[%dma_start3A_384, %dma_start3A_385] : memref<10000x128xf32, #tpu.memory_space<vmem_shared>> -> memref<10000x128xf32, #tpu.memory_space<vmem_shared>>
      tpu.enqueue_indirect_dma source(%arg9 : memref<80x128xf32, #tpu.memory_space<vmem>>) target(%dma_start3A_386 : memref<10000x128xf32, #tpu.memory_space<vmem_shared>>) offsets(%dma_start3A_383 : memref<80xi32, #tpu.memory_space<vmem>>) semaphore(%arg21 : memref<!tpu.dma_semaphore, #tpu.memory_space<semaphore_mem>>) {add = true}
      %dma_wait3A_387 = arith.constant 0 : i32
      %dma_wait3A_388 = arith.constant 0 : i32
      %dma_wait3A_389 = tpu.memref_slice %arg2[%dma_wait3A_387, %dma_wait3A_388] : memref<10000x128xf32, #tpu.memory_space<hbm>> -> memref<80x128xf32, #tpu.memory_space<hbm>>
      %dma_wait3A_390 = arith.constant 0 : i32
      %dma_wait3A_391 = arith.constant 0 : i32
      %dma_wait3A_392 = tpu.memref_slice %arg2[%dma_wait3A_390, %dma_wait3A_391] : memref<10000x128xf32, #tpu.memory_space<hbm>> -> memref<80x128xf32, #tpu.memory_space<hbm>>
      tpu.wait_dma2 semaphore(%arg21 : memref<!tpu.dma_semaphore, #tpu.memory_space<semaphore_mem>>) src(%dma_wait3A_392 : memref<80x128xf32, #tpu.memory_space<hbm>>) dst(%arg9 : memref<80x128xf32, #tpu.memory_space<vmem>>)
      %add3A_393 = arith.constant 3 : i32
      %add3A_394 = arith.addi %add3A_359, %add3A_393 : i32
      %dma_start3A_395 = arith.constant 1 : i32
      %dma_start3A_396 = arith.constant 0 : i32
      %dma_start3A_397 = tpu.memref_slice %arg7[%dma_start3A_395, %dma_start3A_396] : memref<3x80xi32, #tpu.memory_space<vmem>> -> memref<1x80xi32, #tpu.memory_space<vmem>>
      %dma_start3A_398 = arith.constant 0 : i32
      %dma_start3A_399 = tpu.memref_slice %arg4[%add3A, %add3A_394, %dma_start3A_398] : memref<32x125x80xi32, #tpu.memory_space<hbm>> -> memref<1x1x80xi32, #tpu.memory_space<hbm>>
      %dma_start3A_400 = tpu.memref_squeeze %dma_start3A_399 : memref<1x1x80xi32, #tpu.memory_space<hbm>> -> memref<1x80xi32, #tpu.memory_space<hbm>>
      %dma_start3A_401 = arith.constant 1 : i32
      %dma_start3A_402 = arith.constant 0 : i32
      %dma_start3A_403 = tpu.memref_slice %arg7[%dma_start3A_401, %dma_start3A_402] : memref<3x80xi32, #tpu.memory_space<vmem>> -> memref<1x80xi32, #tpu.memory_space<vmem>>
      %dma_start3A_404 = arith.constant 0 : i32
      %dma_start3A_405 = tpu.memref_slice %arg4[%add3A, %add3A_394, %dma_start3A_404] : memref<32x125x80xi32, #tpu.memory_space<hbm>> -> memref<1x1x80xi32, #tpu.memory_space<hbm>>
      %dma_start3A_406 = tpu.memref_squeeze %dma_start3A_405 : memref<1x1x80xi32, #tpu.memory_space<hbm>> -> memref<1x80xi32, #tpu.memory_space<hbm>>
      tpu.enqueue_dma source(%dma_start3A_406 : memref<1x80xi32, #tpu.memory_space<hbm>>) target(%dma_start3A_403 : memref<1x80xi32, #tpu.memory_space<vmem>>) target_semaphore(%arg15 : memref<!tpu.dma_semaphore, #tpu.memory_space<semaphore_mem>>)
      %add3A_407 = arith.constant 3 : i32
      %add3A_408 = arith.addi %add3A_359, %add3A_407 : i32
      %mul3A_409 = arith.constant 80 : i32
      %mul3A_410 = arith.muli %add3A_408, %mul3A_409 : i32
      %dma_start3A_411 = tpu.memref_slice %arg6[%mul3A_410] : memref<10000xi32, #tpu.memory_space<vmem>> -> memref<80xi32, #tpu.memory_space<vmem>>
      %dma_start3A_412 = arith.constant 0 : i32
      %dma_start3A_413 = arith.constant 0 : i32
      %dma_start3A_414 = tpu.memref_slice %arg2[%dma_start3A_412, %dma_start3A_413] : memref<10000x128xf32, #tpu.memory_space<hbm>> -> memref<10000x128xf32, #tpu.memory_space<hbm>>
      tpu.enqueue_indirect_dma source(%dma_start3A_414 : memref<10000x128xf32, #tpu.memory_space<hbm>>) target(%arg9 : memref<80x128xf32, #tpu.memory_space<vmem>>) offsets(%dma_start3A_411 : memref<80xi32, #tpu.memory_space<vmem>>) semaphore(%arg18 : memref<!tpu.dma_semaphore, #tpu.memory_space<semaphore_mem>>)
      %add3A_415 = arith.constant 2 : i32
      %add3A_416 = arith.addi %mul3A_300, %add3A_415 : i32
      %dma_wait3A_417 = arith.constant 0 : i32
      %dma_wait3A_418 = arith.constant 0 : i32
      %dma_wait3A_419 = tpu.memref_slice %arg2[%dma_wait3A_417, %dma_wait3A_418] : memref<10000x128xf32, #tpu.memory_space<hbm>> -> memref<80x128xf32, #tpu.memory_space<hbm>>
      %dma_wait3A_420 = arith.constant 0 : i32
      %dma_wait3A_421 = arith.constant 0 : i32
      %dma_wait3A_422 = tpu.memref_slice %arg2[%dma_wait3A_420, %dma_wait3A_421] : memref<10000x128xf32, #tpu.memory_space<hbm>> -> memref<80x128xf32, #tpu.memory_space<hbm>>
      tpu.wait_dma2 semaphore(%arg19 : memref<!tpu.dma_semaphore, #tpu.memory_space<semaphore_mem>>) src(%dma_wait3A_422 : memref<80x128xf32, #tpu.memory_space<hbm>>) dst(%arg10 : memref<80x128xf32, #tpu.memory_space<vmem>>)
      %dma_wait3A_423 = arith.constant 2 : i32
      %dma_wait3A_424 = arith.constant 0 : i32
      %dma_wait3A_425 = tpu.memref_slice %arg7[%dma_wait3A_423, %dma_wait3A_424] : memref<3x80xi32, #tpu.memory_space<vmem>> -> memref<1x80xi32, #tpu.memory_space<vmem>>
      %dma_wait3A_426 = arith.constant 0 : i32
      %dma_wait3A_427 = arith.constant 0 : i32
      %dma_wait3A_428 = tpu.memref_slice %arg4[%add3A, %dma_wait3A_426, %dma_wait3A_427] : memref<32x125x80xi32, #tpu.memory_space<hbm>> -> memref<1x1x80xi32, #tpu.memory_space<hbm>>
      %dma_wait3A_429 = tpu.memref_squeeze %dma_wait3A_428 : memref<1x1x80xi32, #tpu.memory_space<hbm>> -> memref<1x80xi32, #tpu.memory_space<hbm>>
      %dma_wait3A_430 = arith.constant 2 : i32
      %dma_wait3A_431 = arith.constant 0 : i32
      %dma_wait3A_432 = tpu.memref_slice %arg7[%dma_wait3A_430, %dma_wait3A_431] : memref<3x80xi32, #tpu.memory_space<vmem>> -> memref<1x80xi32, #tpu.memory_space<vmem>>
      %dma_wait3A_433 = arith.constant 0 : i32
      %dma_wait3A_434 = arith.constant 0 : i32
      %dma_wait3A_435 = tpu.memref_slice %arg4[%add3A, %dma_wait3A_433, %dma_wait3A_434] : memref<32x125x80xi32, #tpu.memory_space<hbm>> -> memref<1x1x80xi32, #tpu.memory_space<hbm>>
      %dma_wait3A_436 = tpu.memref_squeeze %dma_wait3A_435 : memref<1x1x80xi32, #tpu.memory_space<hbm>> -> memref<1x80xi32, #tpu.memory_space<hbm>>
      tpu.wait_dma2 semaphore(%arg16 : memref<!tpu.dma_semaphore, #tpu.memory_space<semaphore_mem>>) src(%dma_wait3A_436 : memref<1x80xi32, #tpu.memory_space<hbm>>) dst(%dma_wait3A_432 : memref<1x80xi32, #tpu.memory_space<vmem>>)
      %dma_start3A_437 = arith.constant 2 : i32
      %dma_start3A_438 = arith.constant 0 : i32
      %dma_start3A_439 = tpu.memref_slice %arg7[%dma_start3A_437, %dma_start3A_438] : memref<3x80xi32, #tpu.memory_space<vmem>> -> memref<1x80xi32, #tpu.memory_space<vmem>>
      %dma_start3A_440 = tpu.memref_squeeze %dma_start3A_439 : memref<1x80xi32, #tpu.memory_space<vmem>> -> memref<80xi32, #tpu.memory_space<vmem>>
      %dma_start3A_441 = arith.constant 0 : i32
      %dma_start3A_442 = arith.constant 0 : i32
      %dma_start3A_443 = tpu.memref_slice %arg12[%dma_start3A_441, %dma_start3A_442] : memref<10000x128xf32, #tpu.memory_space<vmem_shared>> -> memref<10000x128xf32, #tpu.memory_space<vmem_shared>>
      tpu.enqueue_indirect_dma source(%arg10 : memref<80x128xf32, #tpu.memory_space<vmem>>) target(%dma_start3A_443 : memref<10000x128xf32, #tpu.memory_space<vmem_shared>>) offsets(%dma_start3A_440 : memref<80xi32, #tpu.memory_space<vmem>>) semaphore(%arg22 : memref<!tpu.dma_semaphore, #tpu.memory_space<semaphore_mem>>) {add = true}
      %dma_wait3A_444 = arith.constant 0 : i32
      %dma_wait3A_445 = arith.constant 0 : i32
      %dma_wait3A_446 = tpu.memref_slice %arg2[%dma_wait3A_444, %dma_wait3A_445] : memref<10000x128xf32, #tpu.memory_space<hbm>> -> memref<80x128xf32, #tpu.memory_space<hbm>>
      %dma_wait3A_447 = arith.constant 0 : i32
      %dma_wait3A_448 = arith.constant 0 : i32
      %dma_wait3A_449 = tpu.memref_slice %arg2[%dma_wait3A_447, %dma_wait3A_448] : memref<10000x128xf32, #tpu.memory_space<hbm>> -> memref<80x128xf32, #tpu.memory_space<hbm>>
      tpu.wait_dma2 semaphore(%arg22 : memref<!tpu.dma_semaphore, #tpu.memory_space<semaphore_mem>>) src(%dma_wait3A_449 : memref<80x128xf32, #tpu.memory_space<hbm>>) dst(%arg10 : memref<80x128xf32, #tpu.memory_space<vmem>>)
      %add3A_450 = arith.constant 3 : i32
      %add3A_451 = arith.addi %add3A_416, %add3A_450 : i32
      %dma_start3A_452 = arith.constant 2 : i32
      %dma_start3A_453 = arith.constant 0 : i32
      %dma_start3A_454 = tpu.memref_slice %arg7[%dma_start3A_452, %dma_start3A_453] : memref<3x80xi32, #tpu.memory_space<vmem>> -> memref<1x80xi32, #tpu.memory_space<vmem>>
      %dma_start3A_455 = arith.constant 0 : i32
      %dma_start3A_456 = tpu.memref_slice %arg4[%add3A, %add3A_451, %dma_start3A_455] : memref<32x125x80xi32, #tpu.memory_space<hbm>> -> memref<1x1x80xi32, #tpu.memory_space<hbm>>
      %dma_start3A_457 = tpu.memref_squeeze %dma_start3A_456 : memref<1x1x80xi32, #tpu.memory_space<hbm>> -> memref<1x80xi32, #tpu.memory_space<hbm>>
      %dma_start3A_458 = arith.constant 2 : i32
      %dma_start3A_459 = arith.constant 0 : i32
      %dma_start3A_460 = tpu.memref_slice %arg7[%dma_start3A_458, %dma_start3A_459] : memref<3x80xi32, #tpu.memory_space<vmem>> -> memref<1x80xi32, #tpu.memory_space<vmem>>
      %dma_start3A_461 = arith.constant 0 : i32
      %dma_start3A_462 = tpu.memref_slice %arg4[%add3A, %add3A_451, %dma_start3A_461] : memref<32x125x80xi32, #tpu.memory_space<hbm>> -> memref<1x1x80xi32, #tpu.memory_space<hbm>>
      %dma_start3A_463 = tpu.memref_squeeze %dma_start3A_462 : memref<1x1x80xi32, #tpu.memory_space<hbm>> -> memref<1x80xi32, #tpu.memory_space<hbm>>
      tpu.enqueue_dma source(%dma_start3A_463 : memref<1x80xi32, #tpu.memory_space<hbm>>) target(%dma_start3A_460 : memref<1x80xi32, #tpu.memory_space<vmem>>) target_semaphore(%arg16 : memref<!tpu.dma_semaphore, #tpu.memory_space<semaphore_mem>>)
      %add3A_464 = arith.constant 3 : i32
      %add3A_465 = arith.addi %add3A_416, %add3A_464 : i32
      %mul3A_466 = arith.constant 80 : i32
      %mul3A_467 = arith.muli %add3A_465, %mul3A_466 : i32
      %dma_start3A_468 = tpu.memref_slice %arg6[%mul3A_467] : memref<10000xi32, #tpu.memory_space<vmem>> -> memref<80xi32, #tpu.memory_space<vmem>>
      %dma_start3A_469 = arith.constant 0 : i32
      %dma_start3A_470 = arith.constant 0 : i32
      %dma_start3A_471 = tpu.memref_slice %arg2[%dma_start3A_469, %dma_start3A_470] : memref<10000x128xf32, #tpu.memory_space<hbm>> -> memref<10000x128xf32, #tpu.memory_space<hbm>>
      tpu.enqueue_indirect_dma source(%dma_start3A_471 : memref<10000x128xf32, #tpu.memory_space<hbm>>) target(%arg10 : memref<80x128xf32, #tpu.memory_space<vmem>>) offsets(%dma_start3A_468 : memref<80xi32, #tpu.memory_space<vmem>>) semaphore(%arg19 : memref<!tpu.dma_semaphore, #tpu.memory_space<semaphore_mem>>)
      %scan3A_472 = arith.constant 0 : i32
      scf.yield %scan3A_472 : i32
    }
    %scan3A_83 = arith.constant 40 : i32
    %dma_wait3A_84 = arith.constant 0 : i32
    %dma_wait3A_85 = arith.constant 0 : i32
    %dma_wait3A_86 = tpu.memref_slice %arg2[%dma_wait3A_84, %dma_wait3A_85] : memref<10000x128xf32, #tpu.memory_space<hbm>> -> memref<80x128xf32, #tpu.memory_space<hbm>>
    %dma_wait3A_87 = arith.constant 0 : i32
    %dma_wait3A_88 = arith.constant 0 : i32
    %dma_wait3A_89 = tpu.memref_slice %arg2[%dma_wait3A_87, %dma_wait3A_88] : memref<10000x128xf32, #tpu.memory_space<hbm>> -> memref<80x128xf32, #tpu.memory_space<hbm>>
    tpu.wait_dma2 semaphore(%arg17 : memref<!tpu.dma_semaphore, #tpu.memory_space<semaphore_mem>>) src(%dma_wait3A_89 : memref<80x128xf32, #tpu.memory_space<hbm>>) dst(%arg8 : memref<80x128xf32, #tpu.memory_space<vmem>>)
    %dma_wait3A_90 = arith.constant 0 : i32
    %dma_wait3A_91 = arith.constant 0 : i32
    %dma_wait3A_92 = tpu.memref_slice %arg7[%dma_wait3A_90, %dma_wait3A_91] : memref<3x80xi32, #tpu.memory_space<vmem>> -> memref<1x80xi32, #tpu.memory_space<vmem>>
    %dma_wait3A_93 = arith.constant 0 : i32
    %dma_wait3A_94 = arith.constant 0 : i32
    %dma_wait3A_95 = tpu.memref_slice %arg4[%add3A, %dma_wait3A_93, %dma_wait3A_94] : memref<32x125x80xi32, #tpu.memory_space<hbm>> -> memref<1x1x80xi32, #tpu.memory_space<hbm>>
    %dma_wait3A_96 = tpu.memref_squeeze %dma_wait3A_95 : memref<1x1x80xi32, #tpu.memory_space<hbm>> -> memref<1x80xi32, #tpu.memory_space<hbm>>
    %dma_wait3A_97 = arith.constant 0 : i32
    %dma_wait3A_98 = arith.constant 0 : i32
    %dma_wait3A_99 = tpu.memref_slice %arg7[%dma_wait3A_97, %dma_wait3A_98] : memref<3x80xi32, #tpu.memory_space<vmem>> -> memref<1x80xi32, #tpu.memory_space<vmem>>
    %dma_wait3A_100 = arith.constant 0 : i32
    %dma_wait3A_101 = arith.constant 0 : i32
    %dma_wait3A_102 = tpu.memref_slice %arg4[%add3A, %dma_wait3A_100, %dma_wait3A_101] : memref<32x125x80xi32, #tpu.memory_space<hbm>> -> memref<1x1x80xi32, #tpu.memory_space<hbm>>
    %dma_wait3A_103 = tpu.memref_squeeze %dma_wait3A_102 : memref<1x1x80xi32, #tpu.memory_space<hbm>> -> memref<1x80xi32, #tpu.memory_space<hbm>>
    tpu.wait_dma2 semaphore(%arg14 : memref<!tpu.dma_semaphore, #tpu.memory_space<semaphore_mem>>) src(%dma_wait3A_103 : memref<1x80xi32, #tpu.memory_space<hbm>>) dst(%dma_wait3A_99 : memref<1x80xi32, #tpu.memory_space<vmem>>)
    %dma_start3A_104 = arith.constant 0 : i32
    %dma_start3A_105 = arith.constant 0 : i32
    %dma_start3A_106 = tpu.memref_slice %arg7[%dma_start3A_104, %dma_start3A_105] : memref<3x80xi32, #tpu.memory_space<vmem>> -> memref<1x80xi32, #tpu.memory_space<vmem>>
    %dma_start3A_107 = tpu.memref_squeeze %dma_start3A_106 : memref<1x80xi32, #tpu.memory_space<vmem>> -> memref<80xi32, #tpu.memory_space<vmem>>
    %dma_start3A_108 = arith.constant 0 : i32
    %dma_start3A_109 = arith.constant 0 : i32
    %dma_start3A_110 = tpu.memref_slice %arg12[%dma_start3A_108, %dma_start3A_109] : memref<10000x128xf32, #tpu.memory_space<vmem_shared>> -> memref<10000x128xf32, #tpu.memory_space<vmem_shared>>
    tpu.enqueue_indirect_dma source(%arg8 : memref<80x128xf32, #tpu.memory_space<vmem>>) target(%dma_start3A_110 : memref<10000x128xf32, #tpu.memory_space<vmem_shared>>) offsets(%dma_start3A_107 : memref<80xi32, #tpu.memory_space<vmem>>) semaphore(%arg20 : memref<!tpu.dma_semaphore, #tpu.memory_space<semaphore_mem>>) {add = true}
    %dma_wait3A_111 = arith.constant 0 : i32
    %dma_wait3A_112 = arith.constant 0 : i32
    %dma_wait3A_113 = tpu.memref_slice %arg2[%dma_wait3A_111, %dma_wait3A_112] : memref<10000x128xf32, #tpu.memory_space<hbm>> -> memref<80x128xf32, #tpu.memory_space<hbm>>
    %dma_wait3A_114 = arith.constant 0 : i32
    %dma_wait3A_115 = arith.constant 0 : i32
    %dma_wait3A_116 = tpu.memref_slice %arg2[%dma_wait3A_114, %dma_wait3A_115] : memref<10000x128xf32, #tpu.memory_space<hbm>> -> memref<80x128xf32, #tpu.memory_space<hbm>>
    tpu.wait_dma2 semaphore(%arg20 : memref<!tpu.dma_semaphore, #tpu.memory_space<semaphore_mem>>) src(%dma_wait3A_116 : memref<80x128xf32, #tpu.memory_space<hbm>>) dst(%arg8 : memref<80x128xf32, #tpu.memory_space<vmem>>)
    %dma_start3A_117 = arith.constant 0 : i32
    %dma_start3A_118 = arith.constant 0 : i32
    %dma_start3A_119 = tpu.memref_slice %arg7[%dma_start3A_117, %dma_start3A_118] : memref<3x80xi32, #tpu.memory_space<vmem>> -> memref<1x80xi32, #tpu.memory_space<vmem>>
    %dma_start3A_120 = arith.constant 123 : i32
    %dma_start3A_121 = arith.constant 0 : i32
    %dma_start3A_122 = tpu.memref_slice %arg4[%add3A, %dma_start3A_120, %dma_start3A_121] : memref<32x125x80xi32, #tpu.memory_space<hbm>> -> memref<1x1x80xi32, #tpu.memory_space<hbm>>
    %dma_start3A_123 = tpu.memref_squeeze %dma_start3A_122 : memref<1x1x80xi32, #tpu.memory_space<hbm>> -> memref<1x80xi32, #tpu.memory_space<hbm>>
    %dma_start3A_124 = arith.constant 0 : i32
    %dma_start3A_125 = arith.constant 0 : i32
    %dma_start3A_126 = tpu.memref_slice %arg7[%dma_start3A_124, %dma_start3A_125] : memref<3x80xi32, #tpu.memory_space<vmem>> -> memref<1x80xi32, #tpu.memory_space<vmem>>
    %dma_start3A_127 = arith.constant 123 : i32
    %dma_start3A_128 = arith.constant 0 : i32
    %dma_start3A_129 = tpu.memref_slice %arg4[%add3A, %dma_start3A_127, %dma_start3A_128] : memref<32x125x80xi32, #tpu.memory_space<hbm>> -> memref<1x1x80xi32, #tpu.memory_space<hbm>>
    %dma_start3A_130 = tpu.memref_squeeze %dma_start3A_129 : memref<1x1x80xi32, #tpu.memory_space<hbm>> -> memref<1x80xi32, #tpu.memory_space<hbm>>
    tpu.enqueue_dma source(%dma_start3A_130 : memref<1x80xi32, #tpu.memory_space<hbm>>) target(%dma_start3A_126 : memref<1x80xi32, #tpu.memory_space<vmem>>) target_semaphore(%arg14 : memref<!tpu.dma_semaphore, #tpu.memory_space<semaphore_mem>>)
    %dma_start3A_131 = arith.constant 9840 : i32
    %dma_start3A_132 = tpu.memref_slice %arg6[%dma_start3A_131] : memref<10000xi32, #tpu.memory_space<vmem>> -> memref<80xi32, #tpu.memory_space<vmem>>
    %dma_start3A_133 = arith.constant 0 : i32
    %dma_start3A_134 = arith.constant 0 : i32
    %dma_start3A_135 = tpu.memref_slice %arg2[%dma_start3A_133, %dma_start3A_134] : memref<10000x128xf32, #tpu.memory_space<hbm>> -> memref<10000x128xf32, #tpu.memory_space<hbm>>
    tpu.enqueue_indirect_dma source(%dma_start3A_135 : memref<10000x128xf32, #tpu.memory_space<hbm>>) target(%arg8 : memref<80x128xf32, #tpu.memory_space<vmem>>) offsets(%dma_start3A_132 : memref<80xi32, #tpu.memory_space<vmem>>) semaphore(%arg17 : memref<!tpu.dma_semaphore, #tpu.memory_space<semaphore_mem>>)
    %dma_wait3A_136 = arith.constant 0 : i32
    %dma_wait3A_137 = arith.constant 0 : i32
    %dma_wait3A_138 = tpu.memref_slice %arg2[%dma_wait3A_136, %dma_wait3A_137] : memref<10000x128xf32, #tpu.memory_space<hbm>> -> memref<80x128xf32, #tpu.memory_space<hbm>>
    %dma_wait3A_139 = arith.constant 0 : i32
    %dma_wait3A_140 = arith.constant 0 : i32
    %dma_wait3A_141 = tpu.memref_slice %arg2[%dma_wait3A_139, %dma_wait3A_140] : memref<10000x128xf32, #tpu.memory_space<hbm>> -> memref<80x128xf32, #tpu.memory_space<hbm>>
    tpu.wait_dma2 semaphore(%arg18 : memref<!tpu.dma_semaphore, #tpu.memory_space<semaphore_mem>>) src(%dma_wait3A_141 : memref<80x128xf32, #tpu.memory_space<hbm>>) dst(%arg9 : memref<80x128xf32, #tpu.memory_space<vmem>>)
    %dma_wait3A_142 = arith.constant 1 : i32
    %dma_wait3A_143 = arith.constant 0 : i32
    %dma_wait3A_144 = tpu.memref_slice %arg7[%dma_wait3A_142, %dma_wait3A_143] : memref<3x80xi32, #tpu.memory_space<vmem>> -> memref<1x80xi32, #tpu.memory_space<vmem>>
    %dma_wait3A_145 = arith.constant 0 : i32
    %dma_wait3A_146 = arith.constant 0 : i32
    %dma_wait3A_147 = tpu.memref_slice %arg4[%add3A, %dma_wait3A_145, %dma_wait3A_146] : memref<32x125x80xi32, #tpu.memory_space<hbm>> -> memref<1x1x80xi32, #tpu.memory_space<hbm>>
    %dma_wait3A_148 = tpu.memref_squeeze %dma_wait3A_147 : memref<1x1x80xi32, #tpu.memory_space<hbm>> -> memref<1x80xi32, #tpu.memory_space<hbm>>
    %dma_wait3A_149 = arith.constant 1 : i32
    %dma_wait3A_150 = arith.constant 0 : i32
    %dma_wait3A_151 = tpu.memref_slice %arg7[%dma_wait3A_149, %dma_wait3A_150] : memref<3x80xi32, #tpu.memory_space<vmem>> -> memref<1x80xi32, #tpu.memory_space<vmem>>
    %dma_wait3A_152 = arith.constant 0 : i32
    %dma_wait3A_153 = arith.constant 0 : i32
    %dma_wait3A_154 = tpu.memref_slice %arg4[%add3A, %dma_wait3A_152, %dma_wait3A_153] : memref<32x125x80xi32, #tpu.memory_space<hbm>> -> memref<1x1x80xi32, #tpu.memory_space<hbm>>
    %dma_wait3A_155 = tpu.memref_squeeze %dma_wait3A_154 : memref<1x1x80xi32, #tpu.memory_space<hbm>> -> memref<1x80xi32, #tpu.memory_space<hbm>>
    tpu.wait_dma2 semaphore(%arg15 : memref<!tpu.dma_semaphore, #tpu.memory_space<semaphore_mem>>) src(%dma_wait3A_155 : memref<1x80xi32, #tpu.memory_space<hbm>>) dst(%dma_wait3A_151 : memref<1x80xi32, #tpu.memory_space<vmem>>)
    %dma_start3A_156 = arith.constant 1 : i32
    %dma_start3A_157 = arith.constant 0 : i32
    %dma_start3A_158 = tpu.memref_slice %arg7[%dma_start3A_156, %dma_start3A_157] : memref<3x80xi32, #tpu.memory_space<vmem>> -> memref<1x80xi32, #tpu.memory_space<vmem>>
    %dma_start3A_159 = tpu.memref_squeeze %dma_start3A_158 : memref<1x80xi32, #tpu.memory_space<vmem>> -> memref<80xi32, #tpu.memory_space<vmem>>
    %dma_start3A_160 = arith.constant 0 : i32
    %dma_start3A_161 = arith.constant 0 : i32
    %dma_start3A_162 = tpu.memref_slice %arg12[%dma_start3A_160, %dma_start3A_161] : memref<10000x128xf32, #tpu.memory_space<vmem_shared>> -> memref<10000x128xf32, #tpu.memory_space<vmem_shared>>
    tpu.enqueue_indirect_dma source(%arg9 : memref<80x128xf32, #tpu.memory_space<vmem>>) target(%dma_start3A_162 : memref<10000x128xf32, #tpu.memory_space<vmem_shared>>) offsets(%dma_start3A_159 : memref<80xi32, #tpu.memory_space<vmem>>) semaphore(%arg21 : memref<!tpu.dma_semaphore, #tpu.memory_space<semaphore_mem>>) {add = true}
    %dma_wait3A_163 = arith.constant 0 : i32
    %dma_wait3A_164 = arith.constant 0 : i32
    %dma_wait3A_165 = tpu.memref_slice %arg2[%dma_wait3A_163, %dma_wait3A_164] : memref<10000x128xf32, #tpu.memory_space<hbm>> -> memref<80x128xf32, #tpu.memory_space<hbm>>
    %dma_wait3A_166 = arith.constant 0 : i32
    %dma_wait3A_167 = arith.constant 0 : i32
    %dma_wait3A_168 = tpu.memref_slice %arg2[%dma_wait3A_166, %dma_wait3A_167] : memref<10000x128xf32, #tpu.memory_space<hbm>> -> memref<80x128xf32, #tpu.memory_space<hbm>>
    tpu.wait_dma2 semaphore(%arg21 : memref<!tpu.dma_semaphore, #tpu.memory_space<semaphore_mem>>) src(%dma_wait3A_168 : memref<80x128xf32, #tpu.memory_space<hbm>>) dst(%arg9 : memref<80x128xf32, #tpu.memory_space<vmem>>)
    %dma_start3A_169 = arith.constant 1 : i32
    %dma_start3A_170 = arith.constant 0 : i32
    %dma_start3A_171 = tpu.memref_slice %arg7[%dma_start3A_169, %dma_start3A_170] : memref<3x80xi32, #tpu.memory_space<vmem>> -> memref<1x80xi32, #tpu.memory_space<vmem>>
    %dma_start3A_172 = arith.constant 124 : i32
    %dma_start3A_173 = arith.constant 0 : i32
    %dma_start3A_174 = tpu.memref_slice %arg4[%add3A, %dma_start3A_172, %dma_start3A_173] : memref<32x125x80xi32, #tpu.memory_space<hbm>> -> memref<1x1x80xi32, #tpu.memory_space<hbm>>
    %dma_start3A_175 = tpu.memref_squeeze %dma_start3A_174 : memref<1x1x80xi32, #tpu.memory_space<hbm>> -> memref<1x80xi32, #tpu.memory_space<hbm>>
    %dma_start3A_176 = arith.constant 1 : i32
    %dma_start3A_177 = arith.constant 0 : i32
    %dma_start3A_178 = tpu.memref_slice %arg7[%dma_start3A_176, %dma_start3A_177] : memref<3x80xi32, #tpu.memory_space<vmem>> -> memref<1x80xi32, #tpu.memory_space<vmem>>
    %dma_start3A_179 = arith.constant 124 : i32
    %dma_start3A_180 = arith.constant 0 : i32
    %dma_start3A_181 = tpu.memref_slice %arg4[%add3A, %dma_start3A_179, %dma_start3A_180] : memref<32x125x80xi32, #tpu.memory_space<hbm>> -> memref<1x1x80xi32, #tpu.memory_space<hbm>>
    %dma_start3A_182 = tpu.memref_squeeze %dma_start3A_181 : memref<1x1x80xi32, #tpu.memory_space<hbm>> -> memref<1x80xi32, #tpu.memory_space<hbm>>
    tpu.enqueue_dma source(%dma_start3A_182 : memref<1x80xi32, #tpu.memory_space<hbm>>) target(%dma_start3A_178 : memref<1x80xi32, #tpu.memory_space<vmem>>) target_semaphore(%arg15 : memref<!tpu.dma_semaphore, #tpu.memory_space<semaphore_mem>>)
    %dma_start3A_183 = arith.constant 9920 : i32
    %dma_start3A_184 = tpu.memref_slice %arg6[%dma_start3A_183] : memref<10000xi32, #tpu.memory_space<vmem>> -> memref<80xi32, #tpu.memory_space<vmem>>
    %dma_start3A_185 = arith.constant 0 : i32
    %dma_start3A_186 = arith.constant 0 : i32
    %dma_start3A_187 = tpu.memref_slice %arg2[%dma_start3A_185, %dma_start3A_186] : memref<10000x128xf32, #tpu.memory_space<hbm>> -> memref<10000x128xf32, #tpu.memory_space<hbm>>
    tpu.enqueue_indirect_dma source(%dma_start3A_187 : memref<10000x128xf32, #tpu.memory_space<hbm>>) target(%arg9 : memref<80x128xf32, #tpu.memory_space<vmem>>) offsets(%dma_start3A_184 : memref<80xi32, #tpu.memory_space<vmem>>) semaphore(%arg18 : memref<!tpu.dma_semaphore, #tpu.memory_space<semaphore_mem>>)
    %dma_wait3A_188 = arith.constant 0 : i32
    %dma_wait3A_189 = arith.constant 0 : i32
    %dma_wait3A_190 = tpu.memref_slice %arg2[%dma_wait3A_188, %dma_wait3A_189] : memref<10000x128xf32, #tpu.memory_space<hbm>> -> memref<80x128xf32, #tpu.memory_space<hbm>>
    %dma_wait3A_191 = arith.constant 0 : i32
    %dma_wait3A_192 = arith.constant 0 : i32
    %dma_wait3A_193 = tpu.memref_slice %arg2[%dma_wait3A_191, %dma_wait3A_192] : memref<10000x128xf32, #tpu.memory_space<hbm>> -> memref<80x128xf32, #tpu.memory_space<hbm>>
    tpu.wait_dma2 semaphore(%arg19 : memref<!tpu.dma_semaphore, #tpu.memory_space<semaphore_mem>>) src(%dma_wait3A_193 : memref<80x128xf32, #tpu.memory_space<hbm>>) dst(%arg10 : memref<80x128xf32, #tpu.memory_space<vmem>>)
    %dma_wait3A_194 = arith.constant 2 : i32
    %dma_wait3A_195 = arith.constant 0 : i32
    %dma_wait3A_196 = tpu.memref_slice %arg7[%dma_wait3A_194, %dma_wait3A_195] : memref<3x80xi32, #tpu.memory_space<vmem>> -> memref<1x80xi32, #tpu.memory_space<vmem>>
    %dma_wait3A_197 = arith.constant 0 : i32
    %dma_wait3A_198 = arith.constant 0 : i32
    %dma_wait3A_199 = tpu.memref_slice %arg4[%add3A, %dma_wait3A_197, %dma_wait3A_198] : memref<32x125x80xi32, #tpu.memory_space<hbm>> -> memref<1x1x80xi32, #tpu.memory_space<hbm>>
    %dma_wait3A_200 = tpu.memref_squeeze %dma_wait3A_199 : memref<1x1x80xi32, #tpu.memory_space<hbm>> -> memref<1x80xi32, #tpu.memory_space<hbm>>
    %dma_wait3A_201 = arith.constant 2 : i32
    %dma_wait3A_202 = arith.constant 0 : i32
    %dma_wait3A_203 = tpu.memref_slice %arg7[%dma_wait3A_201, %dma_wait3A_202] : memref<3x80xi32, #tpu.memory_space<vmem>> -> memref<1x80xi32, #tpu.memory_space<vmem>>
    %dma_wait3A_204 = arith.constant 0 : i32
    %dma_wait3A_205 = arith.constant 0 : i32
    %dma_wait3A_206 = tpu.memref_slice %arg4[%add3A, %dma_wait3A_204, %dma_wait3A_205] : memref<32x125x80xi32, #tpu.memory_space<hbm>> -> memref<1x1x80xi32, #tpu.memory_space<hbm>>
    %dma_wait3A_207 = tpu.memref_squeeze %dma_wait3A_206 : memref<1x1x80xi32, #tpu.memory_space<hbm>> -> memref<1x80xi32, #tpu.memory_space<hbm>>
    tpu.wait_dma2 semaphore(%arg16 : memref<!tpu.dma_semaphore, #tpu.memory_space<semaphore_mem>>) src(%dma_wait3A_207 : memref<1x80xi32, #tpu.memory_space<hbm>>) dst(%dma_wait3A_203 : memref<1x80xi32, #tpu.memory_space<vmem>>)
    %dma_start3A_208 = arith.constant 2 : i32
    %dma_start3A_209 = arith.constant 0 : i32
    %dma_start3A_210 = tpu.memref_slice %arg7[%dma_start3A_208, %dma_start3A_209] : memref<3x80xi32, #tpu.memory_space<vmem>> -> memref<1x80xi32, #tpu.memory_space<vmem>>
    %dma_start3A_211 = tpu.memref_squeeze %dma_start3A_210 : memref<1x80xi32, #tpu.memory_space<vmem>> -> memref<80xi32, #tpu.memory_space<vmem>>
    %dma_start3A_212 = arith.constant 0 : i32
    %dma_start3A_213 = arith.constant 0 : i32
    %dma_start3A_214 = tpu.memref_slice %arg12[%dma_start3A_212, %dma_start3A_213] : memref<10000x128xf32, #tpu.memory_space<vmem_shared>> -> memref<10000x128xf32, #tpu.memory_space<vmem_shared>>
    tpu.enqueue_indirect_dma source(%arg10 : memref<80x128xf32, #tpu.memory_space<vmem>>) target(%dma_start3A_214 : memref<10000x128xf32, #tpu.memory_space<vmem_shared>>) offsets(%dma_start3A_211 : memref<80xi32, #tpu.memory_space<vmem>>) semaphore(%arg22 : memref<!tpu.dma_semaphore, #tpu.memory_space<semaphore_mem>>) {add = true}
    %dma_wait3A_215 = arith.constant 0 : i32
    %dma_wait3A_216 = arith.constant 0 : i32
    %dma_wait3A_217 = tpu.memref_slice %arg2[%dma_wait3A_215, %dma_wait3A_216] : memref<10000x128xf32, #tpu.memory_space<hbm>> -> memref<80x128xf32, #tpu.memory_space<hbm>>
    %dma_wait3A_218 = arith.constant 0 : i32
    %dma_wait3A_219 = arith.constant 0 : i32
    %dma_wait3A_220 = tpu.memref_slice %arg2[%dma_wait3A_218, %dma_wait3A_219] : memref<10000x128xf32, #tpu.memory_space<hbm>> -> memref<80x128xf32, #tpu.memory_space<hbm>>
    tpu.wait_dma2 semaphore(%arg17 : memref<!tpu.dma_semaphore, #tpu.memory_space<semaphore_mem>>) src(%dma_wait3A_220 : memref<80x128xf32, #tpu.memory_space<hbm>>) dst(%arg8 : memref<80x128xf32, #tpu.memory_space<vmem>>)
    %dma_wait3A_221 = arith.constant 0 : i32
    %dma_wait3A_222 = arith.constant 0 : i32
    %dma_wait3A_223 = tpu.memref_slice %arg7[%dma_wait3A_221, %dma_wait3A_222] : memref<3x80xi32, #tpu.memory_space<vmem>> -> memref<1x80xi32, #tpu.memory_space<vmem>>
    %dma_wait3A_224 = arith.constant 0 : i32
    %dma_wait3A_225 = arith.constant 0 : i32
    %dma_wait3A_226 = tpu.memref_slice %arg4[%add3A, %dma_wait3A_224, %dma_wait3A_225] : memref<32x125x80xi32, #tpu.memory_space<hbm>> -> memref<1x1x80xi32, #tpu.memory_space<hbm>>
    %dma_wait3A_227 = tpu.memref_squeeze %dma_wait3A_226 : memref<1x1x80xi32, #tpu.memory_space<hbm>> -> memref<1x80xi32, #tpu.memory_space<hbm>>
    %dma_wait3A_228 = arith.constant 0 : i32
    %dma_wait3A_229 = arith.constant 0 : i32
    %dma_wait3A_230 = tpu.memref_slice %arg7[%dma_wait3A_228, %dma_wait3A_229] : memref<3x80xi32, #tpu.memory_space<vmem>> -> memref<1x80xi32, #tpu.memory_space<vmem>>
    %dma_wait3A_231 = arith.constant 0 : i32
    %dma_wait3A_232 = arith.constant 0 : i32
    %dma_wait3A_233 = tpu.memref_slice %arg4[%add3A, %dma_wait3A_231, %dma_wait3A_232] : memref<32x125x80xi32, #tpu.memory_space<hbm>> -> memref<1x1x80xi32, #tpu.memory_space<hbm>>
    %dma_wait3A_234 = tpu.memref_squeeze %dma_wait3A_233 : memref<1x1x80xi32, #tpu.memory_space<hbm>> -> memref<1x80xi32, #tpu.memory_space<hbm>>
    tpu.wait_dma2 semaphore(%arg14 : memref<!tpu.dma_semaphore, #tpu.memory_space<semaphore_mem>>) src(%dma_wait3A_234 : memref<1x80xi32, #tpu.memory_space<hbm>>) dst(%dma_wait3A_230 : memref<1x80xi32, #tpu.memory_space<vmem>>)
    %dma_start3A_235 = arith.constant 0 : i32
    %dma_start3A_236 = arith.constant 0 : i32
    %dma_start3A_237 = tpu.memref_slice %arg7[%dma_start3A_235, %dma_start3A_236] : memref<3x80xi32, #tpu.memory_space<vmem>> -> memref<1x80xi32, #tpu.memory_space<vmem>>
    %dma_start3A_238 = tpu.memref_squeeze %dma_start3A_237 : memref<1x80xi32, #tpu.memory_space<vmem>> -> memref<80xi32, #tpu.memory_space<vmem>>
    %dma_start3A_239 = arith.constant 0 : i32
    %dma_start3A_240 = arith.constant 0 : i32
    %dma_start3A_241 = tpu.memref_slice %arg12[%dma_start3A_239, %dma_start3A_240] : memref<10000x128xf32, #tpu.memory_space<vmem_shared>> -> memref<10000x128xf32, #tpu.memory_space<vmem_shared>>
    tpu.enqueue_indirect_dma source(%arg8 : memref<80x128xf32, #tpu.memory_space<vmem>>) target(%dma_start3A_241 : memref<10000x128xf32, #tpu.memory_space<vmem_shared>>) offsets(%dma_start3A_238 : memref<80xi32, #tpu.memory_space<vmem>>) semaphore(%arg20 : memref<!tpu.dma_semaphore, #tpu.memory_space<semaphore_mem>>) {add = true}
    %dma_wait3A_242 = arith.constant 0 : i32
    %dma_wait3A_243 = arith.constant 0 : i32
    %dma_wait3A_244 = tpu.memref_slice %arg2[%dma_wait3A_242, %dma_wait3A_243] : memref<10000x128xf32, #tpu.memory_space<hbm>> -> memref<80x128xf32, #tpu.memory_space<hbm>>
    %dma_wait3A_245 = arith.constant 0 : i32
    %dma_wait3A_246 = arith.constant 0 : i32
    %dma_wait3A_247 = tpu.memref_slice %arg2[%dma_wait3A_245, %dma_wait3A_246] : memref<10000x128xf32, #tpu.memory_space<hbm>> -> memref<80x128xf32, #tpu.memory_space<hbm>>
    tpu.wait_dma2 semaphore(%arg18 : memref<!tpu.dma_semaphore, #tpu.memory_space<semaphore_mem>>) src(%dma_wait3A_247 : memref<80x128xf32, #tpu.memory_space<hbm>>) dst(%arg9 : memref<80x128xf32, #tpu.memory_space<vmem>>)
    %dma_wait3A_248 = arith.constant 1 : i32
    %dma_wait3A_249 = arith.constant 0 : i32
    %dma_wait3A_250 = tpu.memref_slice %arg7[%dma_wait3A_248, %dma_wait3A_249] : memref<3x80xi32, #tpu.memory_space<vmem>> -> memref<1x80xi32, #tpu.memory_space<vmem>>
    %dma_wait3A_251 = arith.constant 0 : i32
    %dma_wait3A_252 = arith.constant 0 : i32
    %dma_wait3A_253 = tpu.memref_slice %arg4[%add3A, %dma_wait3A_251, %dma_wait3A_252] : memref<32x125x80xi32, #tpu.memory_space<hbm>> -> memref<1x1x80xi32, #tpu.memory_space<hbm>>
    %dma_wait3A_254 = tpu.memref_squeeze %dma_wait3A_253 : memref<1x1x80xi32, #tpu.memory_space<hbm>> -> memref<1x80xi32, #tpu.memory_space<hbm>>
    %dma_wait3A_255 = arith.constant 1 : i32
    %dma_wait3A_256 = arith.constant 0 : i32
    %dma_wait3A_257 = tpu.memref_slice %arg7[%dma_wait3A_255, %dma_wait3A_256] : memref<3x80xi32, #tpu.memory_space<vmem>> -> memref<1x80xi32, #tpu.memory_space<vmem>>
    %dma_wait3A_258 = arith.constant 0 : i32
    %dma_wait3A_259 = arith.constant 0 : i32
    %dma_wait3A_260 = tpu.memref_slice %arg4[%add3A, %dma_wait3A_258, %dma_wait3A_259] : memref<32x125x80xi32, #tpu.memory_space<hbm>> -> memref<1x1x80xi32, #tpu.memory_space<hbm>>
    %dma_wait3A_261 = tpu.memref_squeeze %dma_wait3A_260 : memref<1x1x80xi32, #tpu.memory_space<hbm>> -> memref<1x80xi32, #tpu.memory_space<hbm>>
    tpu.wait_dma2 semaphore(%arg15 : memref<!tpu.dma_semaphore, #tpu.memory_space<semaphore_mem>>) src(%dma_wait3A_261 : memref<1x80xi32, #tpu.memory_space<hbm>>) dst(%dma_wait3A_257 : memref<1x80xi32, #tpu.memory_space<vmem>>)
    %dma_start3A_262 = arith.constant 1 : i32
    %dma_start3A_263 = arith.constant 0 : i32
    %dma_start3A_264 = tpu.memref_slice %arg7[%dma_start3A_262, %dma_start3A_263] : memref<3x80xi32, #tpu.memory_space<vmem>> -> memref<1x80xi32, #tpu.memory_space<vmem>>
    %dma_start3A_265 = tpu.memref_squeeze %dma_start3A_264 : memref<1x80xi32, #tpu.memory_space<vmem>> -> memref<80xi32, #tpu.memory_space<vmem>>
    %dma_start3A_266 = arith.constant 0 : i32
    %dma_start3A_267 = arith.constant 0 : i32
    %dma_start3A_268 = tpu.memref_slice %arg12[%dma_start3A_266, %dma_start3A_267] : memref<10000x128xf32, #tpu.memory_space<vmem_shared>> -> memref<10000x128xf32, #tpu.memory_space<vmem_shared>>
    tpu.enqueue_indirect_dma source(%arg9 : memref<80x128xf32, #tpu.memory_space<vmem>>) target(%dma_start3A_268 : memref<10000x128xf32, #tpu.memory_space<vmem_shared>>) offsets(%dma_start3A_265 : memref<80xi32, #tpu.memory_space<vmem>>) semaphore(%arg21 : memref<!tpu.dma_semaphore, #tpu.memory_space<semaphore_mem>>) {add = true}
    %dma_wait3A_269 = arith.constant 0 : i32
    %dma_wait3A_270 = arith.constant 0 : i32
    %dma_wait3A_271 = tpu.memref_slice %arg2[%dma_wait3A_269, %dma_wait3A_270] : memref<10000x128xf32, #tpu.memory_space<hbm>> -> memref<80x128xf32, #tpu.memory_space<hbm>>
    %dma_wait3A_272 = arith.constant 0 : i32
    %dma_wait3A_273 = arith.constant 0 : i32
    %dma_wait3A_274 = tpu.memref_slice %arg2[%dma_wait3A_272, %dma_wait3A_273] : memref<10000x128xf32, #tpu.memory_space<hbm>> -> memref<80x128xf32, #tpu.memory_space<hbm>>
    tpu.wait_dma2 semaphore(%arg20 : memref<!tpu.dma_semaphore, #tpu.memory_space<semaphore_mem>>) src(%dma_wait3A_274 : memref<80x128xf32, #tpu.memory_space<hbm>>) dst(%arg8 : memref<80x128xf32, #tpu.memory_space<vmem>>)
    %dma_wait3A_275 = arith.constant 0 : i32
    %dma_wait3A_276 = arith.constant 0 : i32
    %dma_wait3A_277 = tpu.memref_slice %arg2[%dma_wait3A_275, %dma_wait3A_276] : memref<10000x128xf32, #tpu.memory_space<hbm>> -> memref<80x128xf32, #tpu.memory_space<hbm>>
    %dma_wait3A_278 = arith.constant 0 : i32
    %dma_wait3A_279 = arith.constant 0 : i32
    %dma_wait3A_280 = tpu.memref_slice %arg2[%dma_wait3A_278, %dma_wait3A_279] : memref<10000x128xf32, #tpu.memory_space<hbm>> -> memref<80x128xf32, #tpu.memory_space<hbm>>
    tpu.wait_dma2 semaphore(%arg21 : memref<!tpu.dma_semaphore, #tpu.memory_space<semaphore_mem>>) src(%dma_wait3A_280 : memref<80x128xf32, #tpu.memory_space<hbm>>) dst(%arg9 : memref<80x128xf32, #tpu.memory_space<vmem>>)
    %dma_wait3A_281 = arith.constant 0 : i32
    %dma_wait3A_282 = arith.constant 0 : i32
    %dma_wait3A_283 = tpu.memref_slice %arg2[%dma_wait3A_281, %dma_wait3A_282] : memref<10000x128xf32, #tpu.memory_space<hbm>> -> memref<80x128xf32, #tpu.memory_space<hbm>>
    %dma_wait3A_284 = arith.constant 0 : i32
    %dma_wait3A_285 = arith.constant 0 : i32
    %dma_wait3A_286 = tpu.memref_slice %arg2[%dma_wait3A_284, %dma_wait3A_285] : memref<10000x128xf32, #tpu.memory_space<hbm>> -> memref<80x128xf32, #tpu.memory_space<hbm>>
    tpu.wait_dma2 semaphore(%arg22 : memref<!tpu.dma_semaphore, #tpu.memory_space<semaphore_mem>>) src(%dma_wait3A_286 : memref<80x128xf32, #tpu.memory_space<hbm>>) dst(%arg10 : memref<80x128xf32, #tpu.memory_space<vmem>>)
    %barrier3A_287 = arith.constant 0 : index
    tpu.barrier barrier_id(%barrier3A_287)
    %mul3A_288 = arith.constant 624 : i32
    %mul3A_289 = arith.muli %arg1, %mul3A_288 : i32
    %mul3A_290 = arith.constant 624 : i32
    %mul3A_291 = arith.muli %arg1, %mul3A_290 : i32
    "tpu.region"() ({
      %run_scoped3A = tpu.sem_alloc : memref<!tpu.dma_semaphore, #tpu.memory_space<semaphore_mem>>
      %dma_start3A_297 = arith.constant 0 : i32
      %dma_start3A_298 = tpu.memref_slice %arg5[%arg0, %mul3A_291, %dma_start3A_297] : memref<2x10000x128xf32, #tpu.memory_space<hbm>> -> memref<1x624x128xf32, #tpu.memory_space<hbm>>
      %dma_start3A_299 = tpu.memref_squeeze %dma_start3A_298 : memref<1x624x128xf32, #tpu.memory_space<hbm>> -> memref<624x128xf32, #tpu.memory_space<hbm>>
      %dma_start3A_300 = arith.constant 0 : i32
      %dma_start3A_301 = tpu.memref_slice %arg12[%mul3A_289, %dma_start3A_300] : memref<10000x128xf32, #tpu.memory_space<vmem_shared>> -> memref<624x128xf32, #tpu.memory_space<vmem_shared>>
      tpu.enqueue_dma source(%dma_start3A_301 : memref<624x128xf32, #tpu.memory_space<vmem_shared>>) target(%dma_start3A_299 : memref<624x128xf32, #tpu.memory_space<hbm>>) target_semaphore(%run_scoped3A : memref<!tpu.dma_semaphore, #tpu.memory_space<semaphore_mem>>)
      %dma_wait3A_302 = arith.constant 0 : i32
      %dma_wait3A_303 = tpu.memref_slice %arg5[%arg0, %mul3A_291, %dma_wait3A_302] : memref<2x10000x128xf32, #tpu.memory_space<hbm>> -> memref<1x624x128xf32, #tpu.memory_space<hbm>>
      %dma_wait3A_304 = tpu.memref_squeeze %dma_wait3A_303 : memref<1x624x128xf32, #tpu.memory_space<hbm>> -> memref<624x128xf32, #tpu.memory_space<hbm>>
      %dma_wait3A_305 = arith.constant 0 : i32
      %dma_wait3A_306 = tpu.memref_slice %arg12[%mul3A_289, %dma_wait3A_305] : memref<10000x128xf32, #tpu.memory_space<vmem_shared>> -> memref<624x128xf32, #tpu.memory_space<vmem_shared>>
      tpu.wait_dma2 semaphore(%run_scoped3A : memref<!tpu.dma_semaphore, #tpu.memory_space<semaphore_mem>>) src(%dma_wait3A_306 : memref<624x128xf32, #tpu.memory_space<vmem_shared>>) dst(%dma_wait3A_304 : memref<624x128xf32, #tpu.memory_space<hbm>>)
      tpu.yield
    }) : () -> ()
    %eq3A_292 = arith.constant 0 : i32
    %eq3A_293 = arith.cmpi eq, %arg1, %eq3A_292 : i32
    %convert_element_type3A_294 = arith.extui %eq3A_293 : i1 to i32
    %cond3A_295 = arith.constant 0 : i32
    %cond3A_296 = arith.cmpi ne, %convert_element_type3A_294, %cond3A_295 : i32
    scf.if %cond3A_296 {
      "tpu.region"() ({
        %run_scoped3A = tpu.sem_alloc : memref<!tpu.dma_semaphore, #tpu.memory_space<semaphore_mem>>
        %dma_start3A_297 = arith.constant 9984 : i32
        %dma_start3A_298 = arith.constant 0 : i32
        %dma_start3A_299 = tpu.memref_slice %arg5[%arg0, %dma_start3A_297, %dma_start3A_298] : memref<2x10000x128xf32, #tpu.memory_space<hbm>> -> memref<1x16x128xf32, #tpu.memory_space<hbm>>
        %dma_start3A_300 = tpu.memref_squeeze %dma_start3A_299 : memref<1x16x128xf32, #tpu.memory_space<hbm>> -> memref<16x128xf32, #tpu.memory_space<hbm>>
        %dma_start3A_301 = arith.constant 9984 : i32
        %dma_start3A_302 = arith.constant 0 : i32
        %dma_start3A_303 = tpu.memref_slice %arg12[%dma_start3A_301, %dma_start3A_302] : memref<10000x128xf32, #tpu.memory_space<vmem_shared>> -> memref<16x128xf32, #tpu.memory_space<vmem_shared>>
        tpu.enqueue_dma source(%dma_start3A_303 : memref<16x128xf32, #tpu.memory_space<vmem_shared>>) target(%dma_start3A_300 : memref<16x128xf32, #tpu.memory_space<hbm>>) target_semaphore(%run_scoped3A : memref<!tpu.dma_semaphore, #tpu.memory_space<semaphore_mem>>)
        %dma_wait3A_304 = arith.constant 9984 : i32
        %dma_wait3A_305 = arith.constant 0 : i32
        %dma_wait3A_306 = tpu.memref_slice %arg5[%arg0, %dma_wait3A_304, %dma_wait3A_305] : memref<2x10000x128xf32, #tpu.memory_space<hbm>> -> memref<1x16x128xf32, #tpu.memory_space<hbm>>
        %dma_wait3A_307 = tpu.memref_squeeze %dma_wait3A_306 : memref<1x16x128xf32, #tpu.memory_space<hbm>> -> memref<16x128xf32, #tpu.memory_space<hbm>>
        %dma_wait3A_308 = arith.constant 9984 : i32
        %dma_wait3A_309 = arith.constant 0 : i32
        %dma_wait3A_310 = tpu.memref_slice %arg12[%dma_wait3A_308, %dma_wait3A_309] : memref<10000x128xf32, #tpu.memory_space<vmem_shared>> -> memref<16x128xf32, #tpu.memory_space<vmem_shared>>
        tpu.wait_dma2 semaphore(%run_scoped3A : memref<!tpu.dma_semaphore, #tpu.memory_space<semaphore_mem>>) src(%dma_wait3A_310 : memref<16x128xf32, #tpu.memory_space<vmem_shared>>) dst(%dma_wait3A_307 : memref<16x128xf32, #tpu.memory_space<hbm>>)
        tpu.yield
      }) : () -> ()
    } else {
    }
    return
  }
}

</mosaic_0001>

<sc_bundles>
// kernel: _sc_scatter.3.cloned.1.call-start
scs
__scs_entry_jumppad:
0x0: {  	(pc) =	sbr.rel $0x88, $3  }
0x1: {  	(tag) =	ssettag $0x0;
	lr =	simm.s32 $0x1  }
0x2: {  	[smem:$0x3F9E] =	sst lr;
	_ =	strace $0xD0000000  }
0x3: {  	_ = 	snop  }
0x4: {  	_ = 	snop  }
0x5: {  	_ = 	snop  }
0x6: {  	_ = 	snop  }
0x7: {  	_ = 	snop  }
__scs_overlays_trampoline_lowered:
0x8: {  	[smem:$0x3FAD] =	sst s0  }
0x9: {  	[smem:$0x3FAE] =	sst s1  }
0xa: {  	[smem:$0x3FAF] =	sst s2  }
0xb: {  	[smem:$0x3FB0] =	sst s3  }
0xc: {  	[smem:$0x3FB1] =	sst s4  }
0xd: {  	[smem:$0x3FB2] =	sst s5  }
0xe: {  	[smem:$0x3FB3] =	sst s6  }
0xf: {  	[smem:$0x3FB4] =	sst s7  }
0x10: {  	[smem:$0x3FB5] =	sst s8  }
0x11: {  	[smem:$0x3FB6] =	sst s9;
	s0 =	simm.s32 @!p0 $0x0  }
0x12: {  	s1 =	sld [smem:$0x3F9C];
	s0 =	simm.s32 @p0 $0x1  }
0x13: {  	[smem:$0x3FB7] =	sst s0;
	s0 =	simm.s32 @!p1 $0x0  }
0x14: {  	s2 =	sld [smem:$0x3F9B];
	s0 =	simm.s32 @p1 $0x1  }
0x15: {  	[smem:$0x3FB8] =	sst s0;
	s0 =	simm.s32 @!p2 $0x0  }
0x16: {  	s3 =	sld [smem:$0x3FDB];
	s0 =	simm.s32 @p2 $0x1  }
0x17: {  	s4 =	simm.s32 $0x1BF5;
	[smem:$0x3FBA] =	sst s0  }
0x18: {  	s0 =	sld [smem:$0x3F9D];
	_ =	swait.ge [sflag:s4], $0x0  }
0x19: {  	s7 =	sld [smem:$0x3F9E]  }
0x1a: {  	s8 =	sadd.s32 $0xFFFFE003, lr  }
0x1b: {  	s9 =	sadd.s32 $0xFFFFFEF7, lr;
	s5 =	simm.s32 $0xFFFFFFFF;
	p2 =	slt.u32 s8, $0xFFFFF086  }
0x1c: {  	p1 =	slt.u32 s9, $0xF7A;
	s5 =	simm.s32 @!p2 $0x0  }
0x1d: {  	s5 =	simm.s32 @p1 $0x1;
	p0 =	seq.s32 s7, s2  }
0x1e: {  	s7 =	smul.u32 @!p0 $0xF7A, s2;
	p2 =	seq.s32 @!p0 s5, $0x0  }
0x1f: {  	s9 =	smul.u32 $0xF7A, s1;
	s8 =	simm.s32 @!p0 $0x1BF5;
	p2 =	por !p2, p0  }
0x20: {  	[sflag:s8] =	ssyncset.s32 @!p0 $0xFFFFF086;
	s6 =	sadd.s32 @!p0 s3, s7;
	s7 =	simm.s32 @!p0 $0x108  }
0x21: {  	s3 =	sadd.s32 s3, s9;
	s6 =	sadd.s32 @!p0 $0x88, s6;
	s7 =	simm.s32 @p2 $0x1082  }
0x22: {  	[simem:s7], [sflag:s8] =	dma.local @!p0 [hbm:s6], $0xF7A  }
0x23: {  	s9 =	sor.u32 $0xD0000000, s2;
	s6 =	simm.s32 $0x108;
	_ =	swait.ge @!p0 [sflag:s8], $0x0  }
0x24: {  	s3 =	sadd.s32 $0x88, s3;
	s6 =	simm.s32 @!p1 $0x1082;
	[sflag:s4] =	ssyncset.s32 $0xFFFFF086  }
0x25: {  	[simem:s6], [sflag:s4] =	dma.local [hbm:s3], $0xF7A  }
0x26: {  	[smem:$0x3F9E] =	sst s1;
	(tag) =	ssettag s2;
	_ =	strace s9  }
0x27: {  	s1 =	sld [smem:$0x3FAE]  }
0x28: {  	s2 =	sld [smem:$0x3FAF]  }
0x29: {  	s4 =	sld [smem:$0x3FB1]  }
0x2a: {  	p0 =	seq.s32 s5, $0x0;
	s5 =	sld [smem:$0x3FB2]  }
0x2b: {  	s6 =	sld [smem:$0x3FB3]  }
0x2c: {  	s7 =	sld [smem:$0x3FB4]  }
0x2d: {  	s3 =	simm.s32 $0x108;
	s8 =	sld [smem:$0x3FB5]  }
0x2e: {  	s3 =	simm.s32 @!p0 $0x1082;
	s9 =	sld [smem:$0x3FB6]  }
0x2f: {  	lr =	sadd.s32 s0, s3;
	s0 =	sld [smem:$0x3FAD]  }
0x30: {  	s3 =	sld [smem:$0x3FB0]  }
0x31: {  	[smem:$0x3FB9] =	sst s10  }
0x32: {  	s10 =	sld [smem:$0x3FB7];
	_ =	sdelay $0x3  }
0x33: {  	p0 =	seq.s32 s10, $0x1;
	s10 =	sld [smem:$0x3FB9];
	_ =	sdelay $0x3  }
0x34: {  	[smem:$0x3FB9] =	sst s10  }
0x35: {  	s10 =	sld [smem:$0x3FB8];
	_ =	sdelay $0x3  }
0x36: {  	p1 =	seq.s32 s10, $0x1;
	s10 =	sld [smem:$0x3FB9];
	_ =	sdelay $0x3  }
0x37: {  	[smem:$0x3FB9] =	sst s10  }
0x38: {  	s10 =	sld [smem:$0x3FBA]  }
0x39: {  	_ = 	snop;
	(pc) =	sbr.ind lr, $3  }
0x3a: {  	_ = 	snop  }
0x3b: {  	_ = 	snop  }
0x3c: {  	p2 =	seq.s32 s10, $0x1;
	s10 =	sld [smem:$0x3FB9]  }
0x3d: {  	_ =	shalt  }
0x3e: {  	_ =	shalt  }
0x3f: {  	_ =	shalt  }
0x40: {  	_ =	shalt  }
0x41: {  	_ =	shalt  }
0x42: {  	_ =	shalt  }
0x43: {  	_ =	shalt  }
0x44: {  	_ =	shalt  }
0x45: {  	_ =	shalt  }
0x46: {  	_ =	shalt  }
0x47: {  	_ =	shalt  }
0x48: {  	_ =	shalt  }
0x49: {  	_ =	shalt  }
0x4a: {  	_ =	shalt  }
0x4b: {  	_ =	shalt  }
0x4c: {  	_ =	shalt  }
0x4d: {  	_ =	shalt  }
0x4e: {  	_ =	shalt  }
0x4f: {  	_ =	shalt  }
0x50: {  	_ =	shalt  }
0x51: {  	_ =	shalt  }
0x52: {  	_ =	shalt  }
0x53: {  	_ =	shalt  }
0x54: {  	_ =	shalt  }
0x55: {  	_ =	shalt  }
0x56: {  	_ =	shalt  }
0x57: {  	_ =	shalt  }
0x58: {  	_ =	shalt  }
0x59: {  	_ =	shalt  }
0x5a: {  	_ =	shalt  }
0x5b: {  	_ =	shalt  }
0x5c: {  	_ =	shalt  }
0x5d: {  	_ =	shalt  }
0x5e: {  	_ =	shalt  }
0x5f: {  	_ =	shalt  }
0x60: {  	_ =	shalt  }
0x61: {  	_ =	shalt  }
0x62: {  	_ =	shalt  }
0x63: {  	_ =	shalt  }
0x64: {  	_ =	shalt  }
0x65: {  	_ =	shalt  }
0x66: {  	_ =	shalt  }
0x67: {  	_ =	shalt  }
0x68: {  	_ =	shalt  }
0x69: {  	_ =	shalt  }
0x6a: {  	_ =	shalt  }
0x6b: {  	_ =	shalt  }
0x6c: {  	_ =	shalt  }
0x6d: {  	_ =	shalt  }
0x6e: {  	_ =	shalt  }
0x6f: {  	_ =	shalt  }
0x70: {  	_ =	shalt  }
0x71: {  	_ =	shalt  }
0x72: {  	_ =	shalt  }
0x73: {  	_ =	shalt  }
0x74: {  	_ =	shalt  }
0x75: {  	_ =	shalt  }
0x76: {  	_ =	shalt  }
0x77: {  	_ =	shalt  }
0x78: {  	_ =	shalt  }
0x79: {  	_ =	shalt  }
0x7a: {  	_ =	shalt  }
0x7b: {  	_ =	shalt  }
0x7c: {  	_ =	shalt  }
0x7d: {  	_ =	shalt  }
0x7e: {  	_ =	shalt  }
0x7f: {  	_ =	shalt  }
0x80: {  	_ =	shalt  }
0x81: {  	_ =	shalt  }
0x82: {  	_ =	shalt  }
0x83: {  	_ =	shalt  }
0x84: {  	_ =	shalt  }
0x85: {  	_ =	shalt  }
0x86: {  	_ =	shalt  }
0x87: {  	_ =	shalt  }
.Lfunc_end0:
.L_simem_size_0:
called_computation_lowered:
.L_overlay_start_0:
0x88: {  	s2 =	sld [smem:$0x3FD9]  }
0x89: {  	s3 =	sld [smem:$0x3FFE];
	_ =	sdelay $0x1  }
0x8a: {  	s1 =	srdreg.scid  }
0x8b: {  	s0 =	sand.u32 $0x1, s1  }
0x8c: {  	s17 =	sshll.u32 s0, $0xA;
	s2 =	sadd.s32 s3, s2  }
0x8d: {  	s2 =	sadd.s32 s2, s17  }
0x8e: {  	[smem:$0x3FC5] =	sst s2  }
0x8f: {  	_ = 	snop  }
0x90: {  	s2 =	sld [smem:$0x3FC9]  }
0x91: {  	s18 =	sld [smem:$0x3FC8]  }
0x92: {  	s4 =	sld [smem:$0x3FD0];
	(tm) =	ssettm $0x1  }
0x93: {  	s5 =	sld [smem:$0x3FFB];
	_ =	sdelay $0x3  }
0x94: {  	_ =	strace s5  }
0x95: {  	s5 =	sld [smem:$0x3FFC];
	_ =	sdelay $0x3  }
0x96: {  	_ =	strace s5  }
0x97: {  	s5 =	sld [smem:$0x3FFD];
	_ =	sdelay $0x3  }
0x98: {  	_ =	strace s5  }
0x99: {  	_ =	strace $0x8FFFFFFF  }
0x9a: {  	s19 =	sld [smem:$0x3FDB];
	_ =	sdelay $0x1  }
0x9b: {  	s6 =	simm.s32 $_scs_section_size  }
0x9c: {  	s7 =	simm.s32 $_size__tile_overlayer_lowered;
	s8 =	simm.s32 $_tile_overlayer_lowered  }
0x9d: {  	s22 =	simm.s32 $0x1BFF;
	s21 =	sshll.u32 s8, $0x1;
	s5 =	sadd.s32 s6, s19  }
0x9e: {  	s9 =	simm.s32 $0x0;
	s20 =	sshll.u32 s7, $0x1;
	s7 =	sadd.s32 s21, s5  }
0x9f: {  	[timem:s9], [sflag:s22] =	dma.local [hbm:s7], s20  }
0xa0: {  	_ =	swait.ge [sflag:s22], s20  }
0xa1: {  	s6 =	ssub.s32 $0x0, s20;
	[sflag:s22] =	ssyncset.done $0x0  }
0xa2: {  	[sflag:s22] =	ssyncadd.s32 s6;
	_ =	sdelay $0x1  }
0xa3: {  	s23 =	simm.s32 $0x1B8B  }
0xa4: {  	_ =	swait.ge [sflag:s23], $0x1  }
0xa5: {  	[sflag:s23] =	ssyncset.done $0x0  }
0xa6: {  	s25 =	simm.s32 $0x1B8E;
	s24 =	sld [smem:$0x3FFE];
	[sflag:s23] =	ssyncadd.s32 $0xFFFFFFFF  }
0xa7: {  	s26 =	simm.s32 $execute0_lowered;
	[smem:$0x3FD2] =	sst s25  }
0xa8: {  	s7 =	sshll.u32 s26, $0x1;
	_ =	strace $0x80000046;
	[dreg:$0x1] =	wrdreg $0xFFFFFFFF  }
0xa9: {  	s28 =	simm.s32 $_size_execute0_lowered;
	s5 =	sadd.s32 s5, s7;
	[dreg:$0x0] =	wrdreg $0x0  }
0xaa: {  	s7 =	sshll.u32 s28, $0x1;
	[dreg:$0x2] =	wrdreg s5  }
0xab: {  	[dreg:$0x3] =	wrdreg s7  }
0xac: {  	[dreg:$0x4] =	wrdreg $0xC0  }
0xad: {  	_ =	task [dreg:s9], $0x5FFFF  }
0xae: {  	[dreg:$0x1] =	wrdreg $0xFFFFFFFF  }
0xaf: {  	[dreg:$0x0] =	wrdreg $0x60  }
0xb0: {  	[dreg:$0x2] =	wrdreg s2  }
0xb1: {  	[dreg:$0x3] =	wrdreg s18  }
0xb2: {  	[dreg:$0x4] =	wrdreg s24  }
0xb3: {  	[dreg:$0x5] =	wrdreg s4  }
0xb4: {  	[dreg:$0x6] =	wrdreg $0xB9800  }
0xb5: {  	[dreg:$0x7] =	wrdreg $0x9  }
0xb6: {  	_ =	task.clear_ibuf [dreg:s9], $0x8FFFF;
	_ =	strace $0x90000046  }
0xb7: {  	s29 =	simm.s32 $0x9;
	_ =	strace $0x80000048  }
0xb8: {  	_ =	swait.ge [sflag:s29], $0x1  }
0xb9: {  	[sflag:s29] =	ssyncadd.s32 $0xFFFFFFFF  }
0xba: {  	_ =	strace $0x90000048  }
0xbb: {  	_ =	sfence  }
0xbc: {  	s30 =	sld [smem:$0x0];
	_ =	sdelay $0x2  }
0xbd: {  	s31 =	sshll.u32 s1, $0xD;
	s1 =	sshrl.u32 s1, $0x2  }
0xbe: {  	s3 =	sand.u32 $0x4000, s31;
	s1 =	sadd.s32 s1, s30  }
0xbf: {  	s0 =	sor.u32 s3, s0;
	s1 =	sshll.u32 s1, $0x11  }
0xc0: {  	s0 =	sor.u32 s1, s0  }
0xc1: {  	s0 =	sadd.s32 $0x8F2B, s0  }
0xc2: {  	[sflag:s0] =	ssyncadd.remote.s32 $0x1  }
0xc3: {  	_ =	sfence.sel $0xFFFF  }
0xc4: {  	[dreg:$0x0] =	wrdreg $0xFFFFFFFF;
	(pc) =	sbr.abs _section_cstart, $3  }
0xc5: {  	[dreg:$0x1] =	wrdreg $0xFFFFFFFF  }
0xc6: {  	_ =	task.clear_ibuf [dreg:s9], $0x2FFFF;
	_ =	strace $0x9FFFFFFF  }
0xc7: {  	(tm) =	ssettm $0x7FFFFFFF  }
tec
execute0_lowered:
.L_overlay_start_1:
0x0: {  	(tag) =	ssettag $0x1  }
0x1: {  	s0 =	rddreg [dreg:$0x0]  }
0x2: {  	s1 =	rddreg [dreg:$0x1]  }
0x3: {  	s3 =	rddreg [dreg:$0x2]  }
0x4: {  	s6 =	rddreg [dreg:$0x3]  }
0x5: {  	s4 =	srdreg.scid;
	s12 =	stileid.u32  }
0x6: {  	s2 =	rddreg [dreg:$0x4];
	s31 =	simm.s32 $0x2780;
	s25 =	smul.u32 $0x13800, s12  }
0x7: {  	s7 =	sand.u32 $0x1, s4;
	s4 =	simm.s32 $0x0;
	s13 =	smul.u32 $0x4E000, s12  }
0x8: {  	p0 =	sne.s32 s12, $0x0;
	s5 =	sshll.u32 s7, $0x4;
	s8 =	ssub.s32 $0x2, s7  }
0x9: {  	[smem:$0x7FF] =	sst s4;
	s23 =	smul.u32 $0x138800, s7;
	s9 =	sor.u32 s12, s5  }
0xa: {  	s10 =	sshrl.u32 s8, $0x1;
	_ =	strace $0x80000047;
	s14 =	sshrl.u32 s13, $0x2  }
0xb: {  	s5 =	sadd.s32 $0x400, s3;
	s22 =	sshll.u32 s9, $0xB;
	s29 =	sadd.s32 s14, s2  }
0xc: {  	s21 =	ssub.s32 s8, s10;
	s24 =	sadd.s32 s5, s22;
	[dreg:$0xd] =	wrdreg s29  }
0xd: {  	s3 =	simm.s32 $0x2880;
	s16 =	smax.u32 s21, $0x1;
	[dreg:$0x7] =	wrdreg s24  }
0xe: {  	s12 =	simm.s32 $0x50;
	s17 =	sadd.s32 $0x1800, s29;
	[dreg:$0xf] =	wrdreg s16  }
0xf: {  	s13 =	simm.s32 $0x2980;
	s18 =	sadd.s32 $0x3000, s29;
	[dreg:$0x10] =	wrdreg s17  }
0x10: {  	s11 =	smul.u32 $0x4E2, s9;
	s19 =	sadd.s32 $0x4800, s29;
	[dreg:$0x11] =	wrdreg s18  }
0x11: {  	s7 =	sshll.u32 s9, $0xE;
	s20 =	sadd.s32 $0x6000, s29;
	[dreg:$0x12] =	wrdreg s19  }
0x12: {  	s8 =	sshrl.u32 s23, $0x3;
	s21 =	sadd.s32 $0x7800, s29;
	[dreg:$0x13] =	wrdreg s20  }
0x13: {  	s9 =	simm.s32 $0xB;
	s22 =	sadd.s32 $0x9000, s29;
	[dreg:$0x14] =	wrdreg s21  }
0x14: {  	s14 =	simm.s32 $0x5180;
	s1 =	sadd.s32 s1, s11;
	[dreg:$0x15] =	wrdreg s22  }
0x15: {  	s26 =	sadd.s32 $0x10, s24;
	s28 =	sadd.s32 $0x20, s24;
	[dreg:$0x6] =	wrdreg s1  }
0x16: {  	s11 =	sadd.s32 $0x138000, s2;
	s30 =	sadd.s32 $0x7B0, s24;
	[dreg:$0x8] =	wrdreg s26  }
0x17: {  	s10 =	sadd.s32 $0x7C0, s24;
	s24 =	sadd.s32 $0xC000, s29;
	[dreg:$0x9] =	wrdreg s28  }
0x18: {  	s16 =	simm.s32 $0x7980;
	s17 =	simm.s32 $0x5;
	[dreg:$0xa] =	wrdreg s30  }
0x19: {  	s18 =	simm.s32 $0x2;
	s19 =	simm.s32 $0x8;
	[dreg:$0xb] =	wrdreg s10  }
0x1a: {  	s1 =	sadd.s32 s25, s23;
	s23 =	sadd.s32 $0xA800, s29;
	[dreg:$0x17] =	wrdreg s24  }
0x1b: {  	s20 =	simm.s32 $0x6;
	s25 =	sadd.s32 $0xD800, s29;
	[dreg:$0x16] =	wrdreg s23  }
0x1c: {  	s21 =	simm.s32 $0x3;
	s26 =	sadd.s32 $0xF000, s29;
	[dreg:$0x18] =	wrdreg s25  }
0x1d: {  	s22 =	simm.s32 $0x9;
	s28 =	sadd.s32 $0x10800, s29;
	[dreg:$0x19] =	wrdreg s26  }
0x1e: {  	s30 =	sadd.s32 $0x12000, s29;
	s24 =	simm.s32 $0x4;
	[dreg:$0x1a] =	wrdreg s28  }
0x1f: {  	s1 =	sshrl.u32 s1, $0x3;
	[dreg:$0x1b] =	wrdreg s30;
	s23 =	simm.s32 $0x7  }
0x20: {  	s25 =	simm.s32 $0xA;
	s1 =	sadd.s32 s6, s1;
	s6 =	sadd.s32 s6, s8  }
0x21: {  	s26 =	simm.s32 $0x0;
	[dreg:$0xc] =	wrdreg s1;
	s15 =	sadd.s32 $0x27000, s6  }
0x22: {  	v0 =	vimm.f32 $0.0e+00;
	s1 =	simm.s32 $0x2800;
	s6 =	simm.s32 $0xA180;
	[dreg:$0xe] =	wrdreg s15  }
.LBB2_1:
0x23: {  	s8 =	rddreg [dreg:$0x6]  }
0x24: {  	[tilespmem:s4], [sflag:$0x1] =	stream.linear.gather [hbm4b:s8+s4], $0x2710, $0x38;
	[tilespmem:$0x1F200] =	vst v63  }
0x25: {  	s10 =	rddreg [dreg:$0x7]  }
0x26: {  	[tilespmem:s31], [sflag:$0x2] =	stream.linear.gather [hbm4b:s10+s4], $0x80, $0x38;
	[tilespmem:$0x1F200] =	vst v63  }
0x27: {  	s15 =	rddreg [dreg:$0x8]  }
0x28: {  	[tilespmem:s1], [sflag:$0x3] =	stream.linear.gather [hbm4b:s15+s4], $0x80, $0x38;
	[tilespmem:$0x1F200] =	vst v63  }
0x29: {  	s30 =	rddreg [dreg:$0x9];
	s28 =	simm.s32 $0x200;
	s8 =	simm.s32 $0x0  }
0x2a: {  	[tilespmem:s3], [sflag:$0x4] =	stream.linear.gather [hbm4b:s30+s4], $0x80, $0x38;
	[tilespmem:$0x1F200] =	vst v63  }
.LBB2_2:
0x2b: {  	p1 =	sne.s32 s28, $0x5E00;
	[tilespmem:s8+$0xA1F0] =	vst v0  }
0x2c: {  	[tilespmem:s8+$0xA180] =	vst v0  }
0x2d: {  	[tilespmem:s8+$0xA190] =	vst v0  }
.Ltmp0:
0x2e: {  	[tilespmem:s8+$0xA1A0] =	vst v0;
	(pc) =	sbr.rel @p1 .LBB2_2-.Ltmp0, $4  }
0x2f: {  	[tilespmem:s8+$0xA1B0] =	vst v0  }
0x30: {  	[tilespmem:s8+$0xA1C0] =	vst v0  }
0x31: {  	[tilespmem:s8+$0xA1D0] =	vst v0  }
0x32: {  	[tilespmem:s8+$0xA1E0] =	vst v0;
	s8 =	sshra.s32 s28, $0x2;
	s28 =	sadd.s32 $0x200, s28  }
0x33: {  	[tilespmem:s8+$0xA1F0] =	vst v0  }
0x34: {  	[tilespmem:s8+$0xA180] =	vst v0  }
0x35: {  	[tilespmem:s8+$0xA190] =	vst v0  }
0x36: {  	[tilespmem:s8+$0xA1A0] =	vst v0  }
0x37: {  	[tilespmem:s8+$0xA1B0] =	vst v0  }
0x38: {  	[tilespmem:s8+$0xA1C0] =	vst v0  }
0x39: {  	[tilespmem:s8+$0xA1D0] =	vst v0  }
0x3a: {  	[tilespmem:s8+$0xA1E0] =	vst v0  }
0x3b: {  	[spmem:s29] =	stream.linear.scatter [tilespmem:s6], [sflag:$0xB], $0x1800, $0x38;
	[tilespmem:$0x1F200] =	vst v63  }
0x3c: {  	_ =	swait.ge [sflag:s9], $0x1800  }
0x3d: {  	[sflag:s9] =	ssyncset.done $0x0  }
0x3e: {  	s15 =	rddreg [dreg:$0x10];
	[sflag:s9] =	ssyncadd.s32 $0xFFFFE800  }
0x3f: {  	[spmem:s15] =	stream.linear.scatter [tilespmem:s6], [sflag:$0xB], $0x1800, $0x38;
	[tilespmem:$0x1F200] =	vst v63  }
0x40: {  	_ =	swait.ge [sflag:s9], $0x1800  }
0x41: {  	[sflag:s9] =	ssyncset.done $0x0  }
0x42: {  	s10 =	rddreg [dreg:$0x11];
	[sflag:s9] =	ssyncadd.s32 $0xFFFFE800  }
0x43: {  	[spmem:s10] =	stream.linear.scatter [tilespmem:s6], [sflag:$0xB], $0x1800, $0x38;
	[tilespmem:$0x1F200] =	vst v63  }
0x44: {  	_ =	swait.ge [sflag:s9], $0x1800  }
0x45: {  	[sflag:s9] =	ssyncset.done $0x0  }
0x46: {  	s15 =	rddreg [dreg:$0x12];
	[sflag:s9] =	ssyncadd.s32 $0xFFFFE800  }
0x47: {  	[spmem:s15] =	stream.linear.scatter [tilespmem:s6], [sflag:$0xB], $0x1800, $0x38;
	[tilespmem:$0x1F200] =	vst v63  }
0x48: {  	_ =	swait.ge [sflag:s9], $0x1800  }
0x49: {  	[sflag:s9] =	ssyncset.done $0x0  }
0x4a: {  	s10 =	rddreg [dreg:$0x13];
	[sflag:s9] =	ssyncadd.s32 $0xFFFFE800  }
0x4b: {  	[spmem:s10] =	stream.linear.scatter [tilespmem:s6], [sflag:$0xB], $0x1800, $0x38;
	[tilespmem:$0x1F200] =	vst v63  }
0x4c: {  	_ =	swait.ge [sflag:s9], $0x1800  }
0x4d: {  	[sflag:s9] =	ssyncset.done $0x0  }
0x4e: {  	s15 =	rddreg [dreg:$0x14];
	[sflag:s9] =	ssyncadd.s32 $0xFFFFE800  }
0x4f: {  	[spmem:s15] =	stream.linear.scatter [tilespmem:s6], [sflag:$0xB], $0x1800, $0x38;
	[tilespmem:$0x1F200] =	vst v63  }
0x50: {  	_ =	swait.ge [sflag:s9], $0x1800  }
0x51: {  	[sflag:s9] =	ssyncset.done $0x0  }
0x52: {  	s10 =	rddreg [dreg:$0x15];
	[sflag:s9] =	ssyncadd.s32 $0xFFFFE800  }
0x53: {  	[spmem:s10] =	stream.linear.scatter [tilespmem:s6], [sflag:$0xB], $0x1800, $0x38;
	[tilespmem:$0x1F200] =	vst v63  }
0x54: {  	_ =	swait.ge [sflag:s9], $0x1800  }
0x55: {  	[sflag:s9] =	ssyncset.done $0x0  }
0x56: {  	s15 =	rddreg [dreg:$0x16];
	[sflag:s9] =	ssyncadd.s32 $0xFFFFE800  }
0x57: {  	[spmem:s15] =	stream.linear.scatter [tilespmem:s6], [sflag:$0xB], $0x1800, $0x38;
	[tilespmem:$0x1F200] =	vst v63  }
0x58: {  	_ =	swait.ge [sflag:s9], $0x1800  }
0x59: {  	[sflag:s9] =	ssyncset.done $0x0  }
0x5a: {  	s10 =	rddreg [dreg:$0x17];
	[sflag:s9] =	ssyncadd.s32 $0xFFFFE800  }
0x5b: {  	[spmem:s10] =	stream.linear.scatter [tilespmem:s6], [sflag:$0xB], $0x1800, $0x38;
	[tilespmem:$0x1F200] =	vst v63  }
0x5c: {  	_ =	swait.ge [sflag:s9], $0x1800  }
0x5d: {  	[sflag:s9] =	ssyncset.done $0x0  }
0x5e: {  	s15 =	rddreg [dreg:$0x18];
	[sflag:s9] =	ssyncadd.s32 $0xFFFFE800  }
0x5f: {  	[spmem:s15] =	stream.linear.scatter [tilespmem:s6], [sflag:$0xB], $0x1800, $0x38;
	[tilespmem:$0x1F200] =	vst v63  }
0x60: {  	_ =	swait.ge [sflag:s9], $0x1800  }
0x61: {  	[sflag:s9] =	ssyncset.done $0x0  }
0x62: {  	s10 =	rddreg [dreg:$0x19];
	[sflag:s9] =	ssyncadd.s32 $0xFFFFE800  }
0x63: {  	[spmem:s10] =	stream.linear.scatter [tilespmem:s6], [sflag:$0xB], $0x1800, $0x38;
	[tilespmem:$0x1F200] =	vst v63  }
0x64: {  	_ =	swait.ge [sflag:s9], $0x1800  }
0x65: {  	[sflag:s9] =	ssyncset.done $0x0  }
0x66: {  	s15 =	rddreg [dreg:$0x1a];
	[sflag:s9] =	ssyncadd.s32 $0xFFFFE800  }
0x67: {  	[spmem:s15] =	stream.linear.scatter [tilespmem:s6], [sflag:$0xB], $0x1800, $0x38;
	[tilespmem:$0x1F200] =	vst v63  }
0x68: {  	_ =	swait.ge [sflag:s9], $0x1800  }
0x69: {  	[sflag:s9] =	ssyncset.done $0x0  }
0x6a: {  	s10 =	rddreg [dreg:$0x1b];
	[sflag:s9] =	ssyncadd.s32 $0xFFFFE800  }
0x6b: {  	[spmem:s10] =	stream.linear.scatter [tilespmem:s6], [sflag:$0xB], $0x1800, $0x38;
	[tilespmem:$0x1F200] =	vst v63  }
0x6c: {  	_ =	swait.ge [sflag:s9], $0x1800  }
0x6d: {  	[sflag:s9] =	ssyncset.done $0x0  }
0x6e: {  	s8 =	simm.s32 @!p0 $0xA180;
	[sflag:s9] =	ssyncadd.s32 $0xFFFFE800  }
0x6f: {  	[spmem:s11] =	stream.linear.scatter @!p0 [tilespmem:s8], [sflag:$0xB], $0x800, $0x38;
	[tilespmem:$0x1F200] =	vst v63  }
0x70: {  	s8 =	simm.s32 @!p0 $0xB  }
0x71: {  	_ =	swait.ge @!p0 [sflag:s8], $0x800  }
0x72: {  	[sflag:s8] =	ssyncset.done @!p0 $0x0  }
0x73: {  	s15 =	smov.u32 s11;
	s11 =	simm.s32 $0x1;
	[sflag:s8] =	ssyncadd.s32 @!p0 $0xFFFFF800  }
0x74: {  	_ =	swait.ge [sflag:s11], $0x2710  }
0x75: {  	[sflag:s11] =	ssyncset.done $0x0  }
0x76: {  	[sflag:s11] =	ssyncadd.s32 $0xFFFFD8F0  }
0x77: {  	[tilespmem:s13], [sflag:$0x5] =	stream.indirect.gather [hbm4b:s0+s12], $0x80, s4, s12, $0xb8;
	[tilespmem:$0x1F200] =	vst v63  }
0x78: {  	_ = 	snop  }
0x79: {  	[tilespmem:s14], [sflag:$0x6] =	stream.indirect.gather [hbm4b:s0+s12], $0x80, s12, s12, $0xb8;
	[tilespmem:$0x1F200] =	vst v63  }
0x7a: {  	s10 =	simm.s32 $0xA0  }
0x7b: {  	[tilespmem:s16], [sflag:$0x7] =	stream.indirect.gather [hbm4b:s0+s12], $0x80, s10, s12, $0xb8;
	[tilespmem:$0x1F200] =	vst v63  }
0x7c: {  	[bflag:$0x0] =	sbarrier.arrive $0xFFFF  }
0x7d: {  	_ =	swait.ge [sflag:s17], $0x2800  }
0x7e: {  	[sflag:s17] =	ssyncset.done $0x0  }
0x7f: {  	[sflag:s17] =	ssyncadd.s32 $0xFFFFD800  }
0x80: {  	s11 =	simm.s32 $0x180;
	_ =	swait.ge [sflag:s18], $0x80  }
0x81: {  	s28 =	sand.u32 $0xFC00, s11;
	[sflag:s18] =	ssyncset.done $0x0  }
0x82: {  	s8 =	sand.u32 $0x380, s11;
	s28 =	sadd.s32 s7, s28;
	[sflag:s18] =	ssyncadd.s32 $0xFFFFFF80  }
0x83: {  	[spmem:s2] =	stream.indirect.scatter.add.f32 [tilespmem:s13], [sflag:$0x8], $0x80, s31, s12, $0xb8;
	[tilespmem:$0x1F200] =	vst v63  }
0x84: {  	s8 =	sor.u32 s8, s28;
	_ =	swait.ge [sflag:s19], $0x2800  }
0x85: {  	s8 =	sshrl.u32 s8, $0x3;
	[sflag:s19] =	ssyncset.done $0x0  }
0x86: {  	s8 =	sadd.s32 s5, s8;
	[sflag:s19] =	ssyncadd.s32 $0xFFFFD800  }
0x87: {  	[tilespmem:s31], [sflag:$0x2] =	stream.linear.gather [hbm4b:s8+s4], $0x80, $0x38;
	[tilespmem:$0x1F200] =	vst v63  }
0x88: {  	s10 =	simm.s32 $0xF0  }
0x89: {  	[tilespmem:s13], [sflag:$0x5] =	stream.indirect.gather [hbm4b:s0+s12], $0x80, s10, s12, $0xb8;
	[tilespmem:$0x1F200] =	vst v63  }
0x8a: {  	_ =	swait.ge [sflag:s20], $0x2800  }
0x8b: {  	[sflag:s20] =	ssyncset.done $0x0  }
0x8c: {  	[sflag:s20] =	ssyncadd.s32 $0xFFFFD800  }
0x8d: {  	s11 =	simm.s32 $0x200;
	_ =	swait.ge [sflag:s21], $0x80  }
0x8e: {  	s28 =	sand.u32 $0xFC00, s11;
	[sflag:s21] =	ssyncset.done $0x0  }
0x8f: {  	s28 =	sadd.s32 s7, s28;
	s8 =	sand.u32 $0x380, s11;
	[sflag:s21] =	ssyncadd.s32 $0xFFFFFF80  }
0x90: {  	[spmem:s2] =	stream.indirect.scatter.add.f32 [tilespmem:s14], [sflag:$0x9], $0x80, s1, s12, $0xb8;
	[tilespmem:$0x1F200] =	vst v63  }
0x91: {  	s8 =	sor.u32 s8, s28;
	_ =	swait.ge [sflag:s22], $0x2800  }
0x92: {  	s8 =	sshrl.u32 s8, $0x3;
	[sflag:s22] =	ssyncset.done $0x0  }
0x93: {  	s8 =	sadd.s32 s5, s8;
	[sflag:s22] =	ssyncadd.s32 $0xFFFFD800  }
0x94: {  	[tilespmem:s1], [sflag:$0x3] =	stream.linear.gather [hbm4b:s8+s4], $0x80, $0x38;
	[tilespmem:$0x1F200] =	vst v63  }
0x95: {  	s10 =	simm.s32 $0x140  }
0x96: {  	[tilespmem:s14], [sflag:$0x6] =	stream.indirect.gather [hbm4b:s0+s12], $0x80, s10, s12, $0xb8;
	[tilespmem:$0x1F200] =	vst v63  }
0x97: {  	_ =	swait.ge [sflag:s23], $0x2800  }
0x98: {  	[sflag:s23] =	ssyncset.done $0x0  }
0x99: {  	[sflag:s23] =	ssyncadd.s32 $0xFFFFD800  }
0x9a: {  	s11 =	simm.s32 $0x280;
	_ =	swait.ge [sflag:s24], $0x80  }
0x9b: {  	s28 =	sand.u32 $0xFC00, s11;
	[sflag:s24] =	ssyncset.done $0x0  }
0x9c: {  	s28 =	sadd.s32 s7, s28;
	s8 =	sand.u32 $0x380, s11;
	[sflag:s24] =	ssyncadd.s32 $0xFFFFFF80  }
0x9d: {  	[spmem:s2] =	stream.indirect.scatter.add.f32 [tilespmem:s16], [sflag:$0xA], $0x80, s3, s12, $0xb8;
	[tilespmem:$0x1F200] =	vst v63  }
0x9e: {  	s30 =	simm.s32 $0x190;
	s8 =	sor.u32 s8, s28;
	_ =	swait.ge [sflag:s25], $0x2800  }
0x9f: {  	s29 =	simm.s32 $0x400;
	s8 =	sshrl.u32 s8, $0x3;
	[sflag:s25] =	ssyncset.done $0x0  }
0xa0: {  	s28 =	simm.s32 $0x190;
	s8 =	sadd.s32 s5, s8;
	[sflag:s25] =	ssyncadd.s32 $0xFFFFD800  }
0xa1: {  	[tilespmem:s3], [sflag:$0x4] =	stream.linear.gather [hbm4b:s8+s4], $0x80, $0x38;
	[tilespmem:$0x1F200] =	vst v63  }
.LBB2_4:
0xa2: {  	p1 =	sne.s32 s29, $0x3D00  }
0xa3: {  	s28 =	sadd.s32 $0xF0, s28;
	s8 =	smov.u32 s29;
	s29 =	sadd.s32 $0x180, s29  }
0xa4: {  	[tilespmem:s16], [sflag:$0x7] =	stream.indirect.gather [hbm4b:s0+s12], $0x80, s30, s12, $0xb8;
	[tilespmem:$0x1F200] =	vst v63  }
0xa5: {  	s30 =	smov.u32 s28;
	_ =	swait.ge [sflag:s17], $0x2800  }
0xa6: {  	[sflag:s17] =	ssyncset.done $0x0  }
0xa7: {  	[sflag:s17] =	ssyncadd.s32 $0xFFFFD800  }
0xa8: {  	_ =	swait.ge [sflag:s18], $0x80  }
0xa9: {  	s10 =	sadd.s32 $0xFFFFFF00, s8;
	[sflag:s18] =	ssyncset.done $0x0  }
0xaa: {  	s11 =	sand.u32 $0xFC00, s10;
	s10 =	sand.u32 $0x380, s10;
	[sflag:s18] =	ssyncadd.s32 $0xFFFFFF80  }
0xab: {  	[spmem:s2] =	stream.indirect.scatter.add.f32 [tilespmem:s13], [sflag:$0x8], $0x80, s31, s12, $0xb8;
	[tilespmem:$0x1F200] =	vst v63  }
0xac: {  	s11 =	sadd.s32 s7, s11;
	_ =	swait.ge [sflag:s19], $0x2800  }
0xad: {  	s10 =	sor.u32 s10, s11;
	[sflag:s19] =	ssyncset.done $0x0  }
0xae: {  	s10 =	sshrl.u32 s10, $0x3;
	[sflag:s19] =	ssyncadd.s32 $0xFFFFD800  }
0xaf: {  	s11 =	sadd.s32 $0xFFFFFF60, s28;
	s10 =	sadd.s32 s5, s10  }
0xb0: {  	[tilespmem:s31], [sflag:$0x2] =	stream.linear.gather [hbm4b:s10+s4], $0x80, $0x38;
	[tilespmem:$0x1F200] =	vst v63  }
0xb1: {  	_ = 	snop  }
0xb2: {  	[tilespmem:s13], [sflag:$0x5] =	stream.indirect.gather [hbm4b:s0+s12], $0x80, s11, s12, $0xb8;
	[tilespmem:$0x1F200] =	vst v63  }
0xb3: {  	_ =	swait.ge [sflag:s20], $0x2800  }
0xb4: {  	[sflag:s20] =	ssyncset.done $0x0  }
0xb5: {  	[sflag:s20] =	ssyncadd.s32 $0xFFFFD800  }
0xb6: {  	s10 =	sadd.s32 $0xFFFFFF80, s8;
	_ =	swait.ge [sflag:s21], $0x80  }
0xb7: {  	s11 =	sand.u32 $0xFC00, s10;
	s10 =	sand.u32 $0x380, s10;
	[sflag:s21] =	ssyncset.done $0x0  }
0xb8: {  	s11 =	sadd.s32 s7, s11;
	[sflag:s21] =	ssyncadd.s32 $0xFFFFFF80  }
0xb9: {  	[spmem:s2] =	stream.indirect.scatter.add.f32 [tilespmem:s14], [sflag:$0x9], $0x80, s1, s12, $0xb8;
	[tilespmem:$0x1F200] =	vst v63  }
0xba: {  	s10 =	sor.u32 s10, s11;
	_ =	swait.ge [sflag:s22], $0x2800  }
0xbb: {  	s10 =	sshrl.u32 s10, $0x3;
	[sflag:s22] =	ssyncset.done $0x0  }
0xbc: {  	s11 =	sadd.s32 $0xFFFFFFB0, s28;
	s10 =	sadd.s32 s5, s10;
	[sflag:s22] =	ssyncadd.s32 $0xFFFFD800  }
0xbd: {  	[tilespmem:s1], [sflag:$0x3] =	stream.linear.gather [hbm4b:s10+s4], $0x80, $0x38;
	[tilespmem:$0x1F200] =	vst v63  }
0xbe: {  	_ = 	snop  }
0xbf: {  	[tilespmem:s14], [sflag:$0x6] =	stream.indirect.gather [hbm4b:s0+s12], $0x80, s11, s12, $0xb8;
	[tilespmem:$0x1F200] =	vst v63  }
0xc0: {  	_ =	swait.ge [sflag:s23], $0x2800  }
0xc1: {  	[sflag:s23] =	ssyncset.done $0x0  }
0xc2: {  	[sflag:s23] =	ssyncadd.s32 $0xFFFFD800  }
0xc3: {  	_ =	swait.ge [sflag:s24], $0x80  }
0xc4: {  	s10 =	sand.u32 $0xFC00, s8;
	[sflag:s24] =	ssyncset.done $0x0  }
0xc5: {  	s8 =	sand.u32 $0x380, s8;
	s10 =	sadd.s32 s7, s10;
	[sflag:s24] =	ssyncadd.s32 $0xFFFFFF80  }
0xc6: {  	[spmem:s2] =	stream.indirect.scatter.add.f32 [tilespmem:s16], [sflag:$0xA], $0x80, s3, s12, $0xb8;
	[tilespmem:$0x1F200] =	vst v63  }
.Ltmp1:
0xc7: {  	_ = 	snop;
	(pc) =	sbr.rel @p1 .LBB2_4-.Ltmp1, $4  }
0xc8: {  	s8 =	sor.u32 s8, s10;
	_ =	swait.ge [sflag:s25], $0x2800  }
0xc9: {  	s8 =	sshrl.u32 s8, $0x3;
	[sflag:s25] =	ssyncset.done $0x0  }
0xca: {  	s8 =	sadd.s32 s5, s8;
	[sflag:s25] =	ssyncadd.s32 $0xFFFFD800  }
0xcb: {  	[tilespmem:s3], [sflag:$0x4] =	stream.linear.gather [hbm4b:s8+s4], $0x80, $0x38;
	[tilespmem:$0x1F200] =	vst v63  }
0xcc: {  	[tilespmem:s16], [sflag:$0x7] =	stream.indirect.gather [hbm4b:s0+s12], $0x80, s30, s12, $0xb8;
	[tilespmem:$0x1F200] =	vst v63  }
0xcd: {  	_ =	swait.ge [sflag:s17], $0x2800  }
0xce: {  	[sflag:s17] =	ssyncset.done $0x0  }
0xcf: {  	[sflag:s17] =	ssyncadd.s32 $0xFFFFD800  }
0xd0: {  	_ =	swait.ge [sflag:s18], $0x80  }
0xd1: {  	[sflag:s18] =	ssyncset.done $0x0  }
0xd2: {  	[sflag:s18] =	ssyncadd.s32 $0xFFFFFF80  }
0xd3: {  	[spmem:s2] =	stream.indirect.scatter.add.f32 [tilespmem:s13], [sflag:$0x8], $0x80, s31, s12, $0xb8;
	[tilespmem:$0x1F200] =	vst v63  }
0xd4: {  	_ =	swait.ge [sflag:s19], $0x2800  }
0xd5: {  	[sflag:s19] =	ssyncset.done $0x0  }
0xd6: {  	s8 =	rddreg [dreg:$0xa];
	[sflag:s19] =	ssyncadd.s32 $0xFFFFD800  }
0xd7: {  	[tilespmem:s31], [sflag:$0x2] =	stream.linear.gather [hbm4b:s8+s4], $0x80, $0x38;
	[tilespmem:$0x1F200] =	vst v63  }
0xd8: {  	s30 =	simm.s32 $0x2670  }
0xd9: {  	[tilespmem:s13], [sflag:$0x5] =	stream.indirect.gather [hbm4b:s0+s12], $0x80, s30, s12, $0xb8;
	[tilespmem:$0x1F200] =	vst v63  }
0xda: {  	_ =	swait.ge [sflag:s20], $0x2800  }
0xdb: {  	[sflag:s20] =	ssyncset.done $0x0  }
0xdc: {  	[sflag:s20] =	ssyncadd.s32 $0xFFFFD800  }
0xdd: {  	_ =	swait.ge [sflag:s21], $0x80  }
0xde: {  	[sflag:s21] =	ssyncset.done $0x0  }
0xdf: {  	[sflag:s21] =	ssyncadd.s32 $0xFFFFFF80  }
0xe0: {  	[spmem:s2] =	stream.indirect.scatter.add.f32 [tilespmem:s14], [sflag:$0x9], $0x80, s1, s12, $0xb8;
	[tilespmem:$0x1F200] =	vst v63  }
0xe1: {  	_ =	swait.ge [sflag:s22], $0x2800  }
0xe2: {  	[sflag:s22] =	ssyncset.done $0x0  }
0xe3: {  	s10 =	rddreg [dreg:$0xb];
	[sflag:s22] =	ssyncadd.s32 $0xFFFFD800  }
0xe4: {  	[tilespmem:s1], [sflag:$0x3] =	stream.linear.gather [hbm4b:s10+s4], $0x80, $0x38;
	[tilespmem:$0x1F200] =	vst v63  }
0xe5: {  	s11 =	simm.s32 $0x26C0  }
0xe6: {  	[tilespmem:s14], [sflag:$0x6] =	stream.indirect.gather [hbm4b:s0+s12], $0x80, s11, s12, $0xb8;
	[tilespmem:$0x1F200] =	vst v63  }
0xe7: {  	_ =	swait.ge [sflag:s23], $0x2800  }
0xe8: {  	[sflag:s23] =	ssyncset.done $0x0  }
0xe9: {  	[sflag:s23] =	ssyncadd.s32 $0xFFFFD800  }
0xea: {  	_ =	swait.ge [sflag:s24], $0x80  }
0xeb: {  	[sflag:s24] =	ssyncset.done $0x0  }
0xec: {  	[sflag:s24] =	ssyncadd.s32 $0xFFFFFF80  }
0xed: {  	[spmem:s2] =	stream.indirect.scatter.add.f32 [tilespmem:s16], [sflag:$0xA], $0x80, s3, s12, $0xb8;
	[tilespmem:$0x1F200] =	vst v63  }
0xee: {  	_ =	swait.ge [sflag:s17], $0x2800  }
0xef: {  	[sflag:s17] =	ssyncset.done $0x0  }
0xf0: {  	[sflag:s17] =	ssyncadd.s32 $0xFFFFD800  }
0xf1: {  	_ =	swait.ge [sflag:s18], $0x80  }
0xf2: {  	[sflag:s18] =	ssyncset.done $0x0  }
0xf3: {  	[sflag:s18] =	ssyncadd.s32 $0xFFFFFF80  }
0xf4: {  	[spmem:s2] =	stream.indirect.scatter.add.f32 [tilespmem:s13], [sflag:$0x8], $0x80, s31, s12, $0xb8;
	[tilespmem:$0x1F200] =	vst v63  }
0xf5: {  	_ =	swait.ge [sflag:s20], $0x2800  }
0xf6: {  	[sflag:s20] =	ssyncset.done $0x0  }
0xf7: {  	[sflag:s20] =	ssyncadd.s32 $0xFFFFD800  }
0xf8: {  	_ =	swait.ge [sflag:s21], $0x80  }
0xf9: {  	[sflag:s21] =	ssyncset.done $0x0  }
0xfa: {  	[sflag:s21] =	ssyncadd.s32 $0xFFFFFF80  }
0xfb: {  	[spmem:s2] =	stream.indirect.scatter.add.f32 [tilespmem:s14], [sflag:$0x9], $0x80, s1, s12, $0xb8;
	[tilespmem:$0x1F200] =	vst v63  }
0xfc: {  	_ =	swait.ge [sflag:s19], $0x2800  }
0xfd: {  	[sflag:s19] =	ssyncset.done $0x0  }
0xfe: {  	[sflag:s19] =	ssyncadd.s32 $0xFFFFD800  }
0xff: {  	_ =	swait.ge [sflag:s22], $0x2800  }
0x100: {  	[sflag:s22] =	ssyncset.done $0x0  }
0x101: {  	[sflag:s22] =	ssyncadd.s32 $0xFFFFD800  }
0x102: {  	_ =	swait.ge [sflag:s25], $0x2800  }
0x103: {  	[sflag:s25] =	ssyncset.done $0x0  }
0x104: {  	[sflag:s25] =	ssyncadd.s32 $0xFFFFD800  }
0x105: {  	s28 =	stileid.u32;
	[bflag:$0x0] =	sbarrier.arrive $0xFFFF  }
0x106: {  	s8 =	sshll.u32 s28, $0x6;
	s29 =	rddreg [dreg:$0xd]  }
0x107: {  	s8 =	sor.u32 $0x1C0B, s8;
	s11 =	rddreg [dreg:$0xc];
	s10 =	sshrl.u32 s29, $0x3  }
0x108: {  	[hbm:s11], [sflag:s8] =	dma.local [spmem:s10], $0x2700  }
0x109: {  	_ =	swait.ge [sflag:s9], $0x2700  }
0x10a: {  	s11 =	smov.u32 s15;
	[sflag:s9] =	ssyncset.done $0x0  }
0x10b: {  	s10 =	sshrl.u32 @!p0 s15, $0x3;
	s15 =	rddreg [dreg:$0xe];
	[sflag:s9] =	ssyncadd.s32 $0xFFFFD900  }
0x10c: {  	[hbm:s15], [sflag:s8] =	dma.local @!p0 [spmem:s10], $0x100  }
0x10d: {  	s8 =	simm.s32 @!p0 $0xB  }
0x10e: {  	_ =	swait.ge @!p0 [sflag:s8], $0x100  }
0x10f: {  	s26 =	sadd.s32 $0x1, s26;
	s30 =	rddreg [dreg:$0xf]  }
0x110: {  	p1 =	sne.s32 s26, s30  }
.Ltmp2:
0x111: {  	_ = 	snop;
	(pc) =	sbr.rel @p1 .LBB2_1-.Ltmp2, $3  }
0x112: {  	_ =	sdelay $0x1  }
0x113: {  	[sflag:s8] =	ssyncset.done @!p0 $0x0  }
0x114: {  	[sflag:s8] =	ssyncadd.s32 @!p0 $0xFFFFFF00  }
0x115: {  	_ =	sfence.sel $0x180000  }
0x116: {  	[bflag:$0x0] =	sbarrier.arrive $0xFFFF  }
0x117: {  	_ =	strace $0x90000047  }
0x118: {  	[bflag:$0x2] =	sbarrier.arrive $0xFFFF  }
0x119: {  	s0 =	rddreg [dreg:$0x5]  }
0x11a: {  	s0 =	sadd.s32 @!p0 $0x100000, s0  }
0x11b: {  	[sflag:s0] =	ssyncadd.tile.s32 @!p0 $0x1;
	_ =	shalt  }
.Lfunc_end2:
_tile_overlayer_lowered:
.L_overlay_start_2:
0x11c: {  	(tag) =	ssettag $0x2  }
0x11d: {  	s0 =	rddreg [dreg:$0x0];
	s2 =	stileid.u32  }
0x11e: {  	s1 =	rddreg [dreg:$0x1];
	p0 =	sne.s32 s2, $0x0  }
0x11f: {  	s3 =	rddreg [dreg:$0x2];
	[bflag:$0x3] =	sbarrier.arrive $0xFFFF;
	s2 =	simm.s32 @!p0 $0x1C0B  }
0x120: {  	[timem:s3], [sflag:s2] =	dma.local @!p0 [hbm:s0], s1  }
0x121: {  	s0 =	simm.s32 @!p0 $0xB  }
0x122: {  	_ =	swait.ge @!p0 [sflag:s0], s1  }
0x123: {  	s1 =	ssub.s32 @!p0 $0x0, s1;
	[sflag:s0] =	ssyncset.done @!p0 $0x0  }
0x124: {  	[sflag:s0] =	ssyncadd.s32 @!p0 s1  }
0x125: {  	[bflag:$0x3] =	sbarrier.arrive $0xFFFF  }
0x126: {  	_ =	shalt  }

</sc_bundles>
